<compile_context>
chip_gen: v7x
topology: tpu7x:2x2x1
jax: 0.10.2.dev20260603
libtpu: 0.0.44.dev20260713+nightly
codegen_flags: <defaults>
</compile_context>

<pallas_src>
import functools

import jax
import jax.numpy as jnp
from jax import lax
from jax.experimental import pallas as pl
from jax.experimental.pallas import tpu as pltpu
from jax.experimental.pallas import tpu_sc as plsc

NUM_EMB = 1000000
SUB = 32
BATCH = 16384
NC, NS = 2, 16
NW = NC * NS
BPW = BATCH // NW
CHUNK = 128
NCH = BPW // CHUNK
HALF = BPW // 2

_mesh = plsc.VectorSubcoreMesh(core_axis_name="c", subcore_axis_name="s")


@functools.partial(
    pl.kernel,
    mesh=_mesh,
    compiler_params=pltpu.CompilerParams(
        use_tc_tiling_on_sc=False,
        allow_input_fusion=(False, False, True, True)),
    out_type=jax.ShapeDtypeStruct((BATCH, 2 * SUB), jnp.float32),
    scratch_types=[
        pltpu.VMEM((NCH, CHUNK), jnp.int32),
        pltpu.VMEM((NCH, CHUNK), jnp.int32),
        pltpu.VMEM((HALF, SUB), jnp.float32),
        pltpu.VMEM((HALF, SUB), jnp.float32),
        pltpu.VMEM((HALF, 2 * SUB), jnp.float32),
        pltpu.SemaphoreType.DMA,
    ],
)
def _hash_embed(idx0_hbm, idx1_hbm, t0_hbm, t1_hbm, out_hbm,
                idx0_v, idx1_v, rows0_v, rows1_v, out_v, sem):
    wid = lax.axis_index("s") * NC + lax.axis_index("c")
    base = wid * BPW
    pltpu.sync_copy(idx0_hbm.at[wid], idx0_v)
    pltpu.sync_copy(idx1_hbm.at[wid], idx1_v)
    for half in range(2):
        copies = []
        for jj in range(HALF // 16):
            j = half * (HALF // CHUNK) + jj // (CHUNK // 16)
            k = jj % (CHUNK // 16)
            iv0 = idx0_v[j, pl.ds(k * 16, 16)]
            iv1 = idx1_v[j, pl.ds(k * 16, 16)]
            copies.append(pltpu.async_copy(
                t0_hbm.at[iv0], rows0_v.at[pl.ds(jj * 16, 16)], sem))
            copies.append(pltpu.async_copy(
                t1_hbm.at[iv1], rows1_v.at[pl.ds(jj * 16, 16)], sem))
        for c in copies:
            c.wait()

        @pl.loop(0, HALF)
        def _interleave(r):
            out_v[r, pl.ds(0, 16)] = rows0_v[r, pl.ds(0, 16)]
            out_v[r, pl.ds(16, 16)] = rows0_v[r, pl.ds(16, 16)]
            out_v[r, pl.ds(32, 16)] = rows1_v[r, pl.ds(0, 16)]
            out_v[r, pl.ds(48, 16)] = rows1_v[r, pl.ds(16, 16)]

        pltpu.sync_copy(out_v, out_hbm.at[pl.ds(base + half * HALF, HALF)])


def kernel(indices, table0, table1):
    idx = indices.astype(jnp.int32)
    idx0 = idx[0].reshape(NW, NCH, CHUNK)
    idx1 = idx[1].reshape(NW, NCH, CHUNK)
    return _hash_embed(idx0, idx1, table0, table1)

# --- scband reference (transcript-rebuilt; emitter-appended) ---
"""Pipeline reference for scband-hash-embedding-18313740550721 (READ-ONLY COPY).

The authoritative reference and input builder live on the scoring server;
editing this copy changes nothing except your own understanding.
"""

import jax, jax.numpy as jnp
import numpy as np

NUM_EMBEDDINGS = 1000000
EMBEDDING_DIM = 64
NUM_HASHES = 2
BATCH = 16384
SUB_DIM = EMBEDDING_DIM // NUM_HASHES


def setup_inputs(seed: int = 0) -> dict:
    key = jax.random.key(seed)
    k_idx, k_t0, k_t1 = jax.random.split(key, 3)
    # Precomputed hash indices: one row per hash function (md5-based string hashing
    # is modeled as uniform random indices into the table).
    indices = jax.random.randint(k_idx, (NUM_HASHES, BATCH), 0, NUM_EMBEDDINGS, dtype=jnp.int64)
    # Learned parameters: one sub-table per hash function, init std=0.02.
    table0 = jax.random.normal(k_t0, (NUM_EMBEDDINGS, SUB_DIM), dtype=jnp.float32) * 0.02
    table1 = jax.random.normal(k_t1, (NUM_EMBEDDINGS, SUB_DIM), dtype=jnp.float32) * 0.02
    return {"indices": indices, "table0": table0, "table1": table1}


def reference(indices, table0, table1):
    # For each hash function, gather from its sub-table, then concat along feature dim.
    e0 = jnp.take(table0, indices[0], axis=0)
    e1 = jnp.take(table1, indices[1], axis=0)
    final_embeddings = jnp.concatenate([e0, e1], axis=1)
    return final_embeddings

if __name__ == "__main__":
    import jax
    _d = setup_inputs()
    print(jax.jit(kernel)(*tuple(_d.values())))

</pallas_src>

<mosaic_0001>
#map = affine_map<(d0, d1) -> (0, 0, 0)>
#map1 = affine_map<(d0, d1) -> (0, 0)>
module attributes {stable_mosaic.version = 14 : i64} {
  func.func @_hash_embed(%arg0: i32, %arg1: i32, %arg2: memref<32x4x128xi32, #tpu.memory_space<hbm>>, %arg3: memref<32x4x128xi32, #tpu.memory_space<hbm>>, %arg4: memref<1000000x32xf32, #tpu.memory_space<hbm>>, %arg5: memref<1000000x32xf32, #tpu.memory_space<hbm>>, %arg6: memref<16384x64xf32, #tpu.memory_space<hbm>>, %arg7: memref<4x128xi32, #tpu.memory_space<vmem>>, %arg8: memref<4x128xi32, #tpu.memory_space<vmem>>, %arg9: memref<256x32xf32, #tpu.memory_space<vmem>>, %arg10: memref<256x32xf32, #tpu.memory_space<vmem>>, %arg11: memref<256x64xf32, #tpu.memory_space<vmem>>, %arg12: memref<!tpu.dma_semaphore, #tpu.memory_space<semaphore_mem>>) attributes {dimension_semantics = [#tpu.dimension_semantics<core_parallel>, #tpu.dimension_semantics<subcore_parallel>], iteration_bounds = array<i64: 2, 16>, scalar_prefetch = 0 : i64, scratch_operands = 6 : i64, tpu.core_type = #tpu.core_type<sc_vector_subcore>, window_params = [{transform_indices = #map}, {transform_indices = #map}, {transform_indices = #map1}, {transform_indices = #map1}, {transform_indices = #map1}]} {
    %mul3A = arith.constant 2 : i32
    %mul3A_0 = arith.muli %arg1, %mul3A : i32
    %add3A = arith.addi %mul3A_0, %arg0 : i32
    %mul3A_1 = arith.constant 512 : i32
    %mul3A_2 = arith.muli %add3A, %mul3A_1 : i32
    "tpu.region"() ({
      %run_scoped3A = tpu.sem_alloc : memref<!tpu.dma_semaphore, #tpu.memory_space<semaphore_mem>>
      %dma_start3A_1101 = arith.constant 0 : i32
      %dma_start3A_1102 = arith.constant 0 : i32
      %dma_start3A_1103 = tpu.memref_slice %arg2[%add3A, %dma_start3A_1101, %dma_start3A_1102] : memref<32x4x128xi32, #tpu.memory_space<hbm>> -> memref<1x4x128xi32, #tpu.memory_space<hbm>>
      %dma_start3A_1104 = tpu.memref_squeeze %dma_start3A_1103 : memref<1x4x128xi32, #tpu.memory_space<hbm>> -> memref<4x128xi32, #tpu.memory_space<hbm>>
      %dma_start3A_1105 = arith.constant 0 : i32
      %dma_start3A_1106 = arith.constant 0 : i32
      %dma_start3A_1107 = tpu.memref_slice %arg2[%add3A, %dma_start3A_1105, %dma_start3A_1106] : memref<32x4x128xi32, #tpu.memory_space<hbm>> -> memref<1x4x128xi32, #tpu.memory_space<hbm>>
      %dma_start3A_1108 = tpu.memref_squeeze %dma_start3A_1107 : memref<1x4x128xi32, #tpu.memory_space<hbm>> -> memref<4x128xi32, #tpu.memory_space<hbm>>
      tpu.enqueue_dma source(%dma_start3A_1108 : memref<4x128xi32, #tpu.memory_space<hbm>>) target(%arg7 : memref<4x128xi32, #tpu.memory_space<vmem>>) target_semaphore(%run_scoped3A : memref<!tpu.dma_semaphore, #tpu.memory_space<semaphore_mem>>)
      %dma_wait3A_1109 = arith.constant 0 : i32
      %dma_wait3A_1110 = arith.constant 0 : i32
      %dma_wait3A_1111 = tpu.memref_slice %arg2[%add3A, %dma_wait3A_1109, %dma_wait3A_1110] : memref<32x4x128xi32, #tpu.memory_space<hbm>> -> memref<1x4x128xi32, #tpu.memory_space<hbm>>
      %dma_wait3A_1112 = tpu.memref_squeeze %dma_wait3A_1111 : memref<1x4x128xi32, #tpu.memory_space<hbm>> -> memref<4x128xi32, #tpu.memory_space<hbm>>
      %dma_wait3A_1113 = arith.constant 0 : i32
      %dma_wait3A_1114 = arith.constant 0 : i32
      %dma_wait3A_1115 = tpu.memref_slice %arg2[%add3A, %dma_wait3A_1113, %dma_wait3A_1114] : memref<32x4x128xi32, #tpu.memory_space<hbm>> -> memref<1x4x128xi32, #tpu.memory_space<hbm>>
      %dma_wait3A_1116 = tpu.memref_squeeze %dma_wait3A_1115 : memref<1x4x128xi32, #tpu.memory_space<hbm>> -> memref<4x128xi32, #tpu.memory_space<hbm>>
      tpu.wait_dma2 semaphore(%run_scoped3A : memref<!tpu.dma_semaphore, #tpu.memory_space<semaphore_mem>>) src(%dma_wait3A_1116 : memref<4x128xi32, #tpu.memory_space<hbm>>) dst(%arg7 : memref<4x128xi32, #tpu.memory_space<vmem>>)
      tpu.yield
    }) : () -> ()
    "tpu.region"() ({
      %run_scoped3A = tpu.sem_alloc : memref<!tpu.dma_semaphore, #tpu.memory_space<semaphore_mem>>
      %dma_start3A_1101 = arith.constant 0 : i32
      %dma_start3A_1102 = arith.constant 0 : i32
      %dma_start3A_1103 = tpu.memref_slice %arg3[%add3A, %dma_start3A_1101, %dma_start3A_1102] : memref<32x4x128xi32, #tpu.memory_space<hbm>> -> memref<1x4x128xi32, #tpu.memory_space<hbm>>
      %dma_start3A_1104 = tpu.memref_squeeze %dma_start3A_1103 : memref<1x4x128xi32, #tpu.memory_space<hbm>> -> memref<4x128xi32, #tpu.memory_space<hbm>>
      %dma_start3A_1105 = arith.constant 0 : i32
      %dma_start3A_1106 = arith.constant 0 : i32
      %dma_start3A_1107 = tpu.memref_slice %arg3[%add3A, %dma_start3A_1105, %dma_start3A_1106] : memref<32x4x128xi32, #tpu.memory_space<hbm>> -> memref<1x4x128xi32, #tpu.memory_space<hbm>>
      %dma_start3A_1108 = tpu.memref_squeeze %dma_start3A_1107 : memref<1x4x128xi32, #tpu.memory_space<hbm>> -> memref<4x128xi32, #tpu.memory_space<hbm>>
      tpu.enqueue_dma source(%dma_start3A_1108 : memref<4x128xi32, #tpu.memory_space<hbm>>) target(%arg8 : memref<4x128xi32, #tpu.memory_space<vmem>>) target_semaphore(%run_scoped3A : memref<!tpu.dma_semaphore, #tpu.memory_space<semaphore_mem>>)
      %dma_wait3A_1109 = arith.constant 0 : i32
      %dma_wait3A_1110 = arith.constant 0 : i32
      %dma_wait3A_1111 = tpu.memref_slice %arg3[%add3A, %dma_wait3A_1109, %dma_wait3A_1110] : memref<32x4x128xi32, #tpu.memory_space<hbm>> -> memref<1x4x128xi32, #tpu.memory_space<hbm>>
      %dma_wait3A_1112 = tpu.memref_squeeze %dma_wait3A_1111 : memref<1x4x128xi32, #tpu.memory_space<hbm>> -> memref<4x128xi32, #tpu.memory_space<hbm>>
      %dma_wait3A_1113 = arith.constant 0 : i32
      %dma_wait3A_1114 = arith.constant 0 : i32
      %dma_wait3A_1115 = tpu.memref_slice %arg3[%add3A, %dma_wait3A_1113, %dma_wait3A_1114] : memref<32x4x128xi32, #tpu.memory_space<hbm>> -> memref<1x4x128xi32, #tpu.memory_space<hbm>>
      %dma_wait3A_1116 = tpu.memref_squeeze %dma_wait3A_1115 : memref<1x4x128xi32, #tpu.memory_space<hbm>> -> memref<4x128xi32, #tpu.memory_space<hbm>>
      tpu.wait_dma2 semaphore(%run_scoped3A : memref<!tpu.dma_semaphore, #tpu.memory_space<semaphore_mem>>) src(%dma_wait3A_1116 : memref<4x128xi32, #tpu.memory_space<hbm>>) dst(%arg8 : memref<4x128xi32, #tpu.memory_space<vmem>>)
      tpu.yield
    }) : () -> ()
    %get3A = arith.constant 0 : i32
    %get3A_3 = arith.index_cast %get3A : i32 to index
    %get3A_4 = arith.constant 0 : index
    %get3A_5 = tpu.vector_load %arg7[%get3A_3, %get3A_4] {strides = array<i32>} : memref<4x128xi32, #tpu.memory_space<vmem>>, vector<1x16xi32>,
    %get3A_6 = vector.shape_cast %get3A_5 : vector<1x16xi32> to vector<16xi32>
    %get3A_7 = arith.constant 0 : i32
    %get3A_8 = arith.index_cast %get3A_7 : i32 to index
    %get3A_9 = arith.constant 0 : index
    %get3A_10 = tpu.vector_load %arg8[%get3A_8, %get3A_9] {strides = array<i32>} : memref<4x128xi32, #tpu.memory_space<vmem>>, vector<1x16xi32>,
    %get3A_11 = vector.shape_cast %get3A_10 : vector<1x16xi32> to vector<16xi32>
    %dma_start3A = arith.constant 0 : i32
    %dma_start3A_12 = arith.constant 0 : i32
    %dma_start3A_13 = tpu.memref_slice %arg9[%dma_start3A, %dma_start3A_12] : memref<256x32xf32, #tpu.memory_space<vmem>> -> memref<16x32xf32, #tpu.memory_space<vmem>>
    %dma_start3A_14 = arith.constant 0 : i32
    %dma_start3A_15 = arith.constant 0 : i32
    %dma_start3A_16 = tpu.memref_slice %arg4[%dma_start3A_14, %dma_start3A_15] : memref<1000000x32xf32, #tpu.memory_space<hbm>> -> memref<1000000x32xf32, #tpu.memory_space<hbm>>
    tpu.enqueue_indirect_dma source(%dma_start3A_16 : memref<1000000x32xf32, #tpu.memory_space<hbm>>) target(%dma_start3A_13 : memref<16x32xf32, #tpu.memory_space<vmem>>) offsets(%get3A_6 : vector<16xi32>) semaphore(%arg12 : memref<!tpu.dma_semaphore, #tpu.memory_space<semaphore_mem>>)
    %dma_start3A_17 = arith.constant 0 : i32
    %dma_start3A_18 = arith.constant 0 : i32
    %dma_start3A_19 = tpu.memref_slice %arg10[%dma_start3A_17, %dma_start3A_18] : memref<256x32xf32, #tpu.memory_space<vmem>> -> memref<16x32xf32, #tpu.memory_space<vmem>>
    %dma_start3A_20 = arith.constant 0 : i32
    %dma_start3A_21 = arith.constant 0 : i32
    %dma_start3A_22 = tpu.memref_slice %arg5[%dma_start3A_20, %dma_start3A_21] : memref<1000000x32xf32, #tpu.memory_space<hbm>> -> memref<1000000x32xf32, #tpu.memory_space<hbm>>
    tpu.enqueue_indirect_dma source(%dma_start3A_22 : memref<1000000x32xf32, #tpu.memory_space<hbm>>) target(%dma_start3A_19 : memref<16x32xf32, #tpu.memory_space<vmem>>) offsets(%get3A_11 : vector<16xi32>) semaphore(%arg12 : memref<!tpu.dma_semaphore, #tpu.memory_space<semaphore_mem>>)
    %get3A_23 = arith.constant 0 : i32
    %get3A_24 = arith.index_cast %get3A_23 : i32 to index
    %get3A_25 = arith.constant 16 : index
    %get3A_26 = tpu.vector_load %arg7[%get3A_24, %get3A_25] {strides = array<i32>} : memref<4x128xi32, #tpu.memory_space<vmem>>, vector<1x16xi32>,
    %get3A_27 = vector.shape_cast %get3A_26 : vector<1x16xi32> to vector<16xi32>
    %get3A_28 = arith.constant 0 : i32
    %get3A_29 = arith.index_cast %get3A_28 : i32 to index
    %get3A_30 = arith.constant 16 : index
    %get3A_31 = tpu.vector_load %arg8[%get3A_29, %get3A_30] {strides = array<i32>} : memref<4x128xi32, #tpu.memory_space<vmem>>, vector<1x16xi32>,
    %get3A_32 = vector.shape_cast %get3A_31 : vector<1x16xi32> to vector<16xi32>
    %dma_start3A_33 = arith.constant 16 : i32
    %dma_start3A_34 = arith.constant 0 : i32
    %dma_start3A_35 = tpu.memref_slice %arg9[%dma_start3A_33, %dma_start3A_34] : memref<256x32xf32, #tpu.memory_space<vmem>> -> memref<16x32xf32, #tpu.memory_space<vmem>>
    %dma_start3A_36 = arith.constant 0 : i32
    %dma_start3A_37 = arith.constant 0 : i32
    %dma_start3A_38 = tpu.memref_slice %arg4[%dma_start3A_36, %dma_start3A_37] : memref<1000000x32xf32, #tpu.memory_space<hbm>> -> memref<1000000x32xf32, #tpu.memory_space<hbm>>
    tpu.enqueue_indirect_dma source(%dma_start3A_38 : memref<1000000x32xf32, #tpu.memory_space<hbm>>) target(%dma_start3A_35 : memref<16x32xf32, #tpu.memory_space<vmem>>) offsets(%get3A_27 : vector<16xi32>) semaphore(%arg12 : memref<!tpu.dma_semaphore, #tpu.memory_space<semaphore_mem>>)
    %dma_start3A_39 = arith.constant 16 : i32
    %dma_start3A_40 = arith.constant 0 : i32
    %dma_start3A_41 = tpu.memref_slice %arg10[%dma_start3A_39, %dma_start3A_40] : memref<256x32xf32, #tpu.memory_space<vmem>> -> memref<16x32xf32, #tpu.memory_space<vmem>>
    %dma_start3A_42 = arith.constant 0 : i32
    %dma_start3A_43 = arith.constant 0 : i32
    %dma_start3A_44 = tpu.memref_slice %arg5[%dma_start3A_42, %dma_start3A_43] : memref<1000000x32xf32, #tpu.memory_space<hbm>> -> memref<1000000x32xf32, #tpu.memory_space<hbm>>
    tpu.enqueue_indirect_dma source(%dma_start3A_44 : memref<1000000x32xf32, #tpu.memory_space<hbm>>) target(%dma_start3A_41 : memref<16x32xf32, #tpu.memory_space<vmem>>) offsets(%get3A_32 : vector<16xi32>) semaphore(%arg12 : memref<!tpu.dma_semaphore, #tpu.memory_space<semaphore_mem>>)
    %get3A_45 = arith.constant 0 : i32
    %get3A_46 = arith.index_cast %get3A_45 : i32 to index
    %get3A_47 = arith.constant 32 : index
    %get3A_48 = tpu.vector_load %arg7[%get3A_46, %get3A_47] {strides = array<i32>} : memref<4x128xi32, #tpu.memory_space<vmem>>, vector<1x16xi32>,
    %get3A_49 = vector.shape_cast %get3A_48 : vector<1x16xi32> to vector<16xi32>
    %get3A_50 = arith.constant 0 : i32
    %get3A_51 = arith.index_cast %get3A_50 : i32 to index
    %get3A_52 = arith.constant 32 : index
    %get3A_53 = tpu.vector_load %arg8[%get3A_51, %get3A_52] {strides = array<i32>} : memref<4x128xi32, #tpu.memory_space<vmem>>, vector<1x16xi32>,
    %get3A_54 = vector.shape_cast %get3A_53 : vector<1x16xi32> to vector<16xi32>
    %dma_start3A_55 = arith.constant 32 : i32
    %dma_start3A_56 = arith.constant 0 : i32
    %dma_start3A_57 = tpu.memref_slice %arg9[%dma_start3A_55, %dma_start3A_56] : memref<256x32xf32, #tpu.memory_space<vmem>> -> memref<16x32xf32, #tpu.memory_space<vmem>>
    %dma_start3A_58 = arith.constant 0 : i32
    %dma_start3A_59 = arith.constant 0 : i32
    %dma_start3A_60 = tpu.memref_slice %arg4[%dma_start3A_58, %dma_start3A_59] : memref<1000000x32xf32, #tpu.memory_space<hbm>> -> memref<1000000x32xf32, #tpu.memory_space<hbm>>
    tpu.enqueue_indirect_dma source(%dma_start3A_60 : memref<1000000x32xf32, #tpu.memory_space<hbm>>) target(%dma_start3A_57 : memref<16x32xf32, #tpu.memory_space<vmem>>) offsets(%get3A_49 : vector<16xi32>) semaphore(%arg12 : memref<!tpu.dma_semaphore, #tpu.memory_space<semaphore_mem>>)
    %dma_start3A_61 = arith.constant 32 : i32
    %dma_start3A_62 = arith.constant 0 : i32
    %dma_start3A_63 = tpu.memref_slice %arg10[%dma_start3A_61, %dma_start3A_62] : memref<256x32xf32, #tpu.memory_space<vmem>> -> memref<16x32xf32, #tpu.memory_space<vmem>>
    %dma_start3A_64 = arith.constant 0 : i32
    %dma_start3A_65 = arith.constant 0 : i32
    %dma_start3A_66 = tpu.memref_slice %arg5[%dma_start3A_64, %dma_start3A_65] : memref<1000000x32xf32, #tpu.memory_space<hbm>> -> memref<1000000x32xf32, #tpu.memory_space<hbm>>
    tpu.enqueue_indirect_dma source(%dma_start3A_66 : memref<1000000x32xf32, #tpu.memory_space<hbm>>) target(%dma_start3A_63 : memref<16x32xf32, #tpu.memory_space<vmem>>) offsets(%get3A_54 : vector<16xi32>) semaphore(%arg12 : memref<!tpu.dma_semaphore, #tpu.memory_space<semaphore_mem>>)
    %get3A_67 = arith.constant 0 : i32
    %get3A_68 = arith.index_cast %get3A_67 : i32 to index
    %get3A_69 = arith.constant 48 : index
    %get3A_70 = tpu.vector_load %arg7[%get3A_68, %get3A_69] {strides = array<i32>} : memref<4x128xi32, #tpu.memory_space<vmem>>, vector<1x16xi32>,
    %get3A_71 = vector.shape_cast %get3A_70 : vector<1x16xi32> to vector<16xi32>
    %get3A_72 = arith.constant 0 : i32
    %get3A_73 = arith.index_cast %get3A_72 : i32 to index
    %get3A_74 = arith.constant 48 : index
    %get3A_75 = tpu.vector_load %arg8[%get3A_73, %get3A_74] {strides = array<i32>} : memref<4x128xi32, #tpu.memory_space<vmem>>, vector<1x16xi32>,
    %get3A_76 = vector.shape_cast %get3A_75 : vector<1x16xi32> to vector<16xi32>
    %dma_start3A_77 = arith.constant 48 : i32
    %dma_start3A_78 = arith.constant 0 : i32
    %dma_start3A_79 = tpu.memref_slice %arg9[%dma_start3A_77, %dma_start3A_78] : memref<256x32xf32, #tpu.memory_space<vmem>> -> memref<16x32xf32, #tpu.memory_space<vmem>>
    %dma_start3A_80 = arith.constant 0 : i32
    %dma_start3A_81 = arith.constant 0 : i32
    %dma_start3A_82 = tpu.memref_slice %arg4[%dma_start3A_80, %dma_start3A_81] : memref<1000000x32xf32, #tpu.memory_space<hbm>> -> memref<1000000x32xf32, #tpu.memory_space<hbm>>
    tpu.enqueue_indirect_dma source(%dma_start3A_82 : memref<1000000x32xf32, #tpu.memory_space<hbm>>) target(%dma_start3A_79 : memref<16x32xf32, #tpu.memory_space<vmem>>) offsets(%get3A_71 : vector<16xi32>) semaphore(%arg12 : memref<!tpu.dma_semaphore, #tpu.memory_space<semaphore_mem>>)
    %dma_start3A_83 = arith.constant 48 : i32
    %dma_start3A_84 = arith.constant 0 : i32
    %dma_start3A_85 = tpu.memref_slice %arg10[%dma_start3A_83, %dma_start3A_84] : memref<256x32xf32, #tpu.memory_space<vmem>> -> memref<16x32xf32, #tpu.memory_space<vmem>>
    %dma_start3A_86 = arith.constant 0 : i32
    %dma_start3A_87 = arith.constant 0 : i32
    %dma_start3A_88 = tpu.memref_slice %arg5[%dma_start3A_86, %dma_start3A_87] : memref<1000000x32xf32, #tpu.memory_space<hbm>> -> memref<1000000x32xf32, #tpu.memory_space<hbm>>
    tpu.enqueue_indirect_dma source(%dma_start3A_88 : memref<1000000x32xf32, #tpu.memory_space<hbm>>) target(%dma_start3A_85 : memref<16x32xf32, #tpu.memory_space<vmem>>) offsets(%get3A_76 : vector<16xi32>) semaphore(%arg12 : memref<!tpu.dma_semaphore, #tpu.memory_space<semaphore_mem>>)
    %get3A_89 = arith.constant 0 : i32
    %get3A_90 = arith.index_cast %get3A_89 : i32 to index
    %get3A_91 = arith.constant 64 : index
    %get3A_92 = tpu.vector_load %arg7[%get3A_90, %get3A_91] {strides = array<i32>} : memref<4x128xi32, #tpu.memory_space<vmem>>, vector<1x16xi32>,
    %get3A_93 = vector.shape_cast %get3A_92 : vector<1x16xi32> to vector<16xi32>
    %get3A_94 = arith.constant 0 : i32
    %get3A_95 = arith.index_cast %get3A_94 : i32 to index
    %get3A_96 = arith.constant 64 : index
    %get3A_97 = tpu.vector_load %arg8[%get3A_95, %get3A_96] {strides = array<i32>} : memref<4x128xi32, #tpu.memory_space<vmem>>, vector<1x16xi32>,
    %get3A_98 = vector.shape_cast %get3A_97 : vector<1x16xi32> to vector<16xi32>
    %dma_start3A_99 = arith.constant 64 : i32
    %dma_start3A_100 = arith.constant 0 : i32
    %dma_start3A_101 = tpu.memref_slice %arg9[%dma_start3A_99, %dma_start3A_100] : memref<256x32xf32, #tpu.memory_space<vmem>> -> memref<16x32xf32, #tpu.memory_space<vmem>>
    %dma_start3A_102 = arith.constant 0 : i32
    %dma_start3A_103 = arith.constant 0 : i32
    %dma_start3A_104 = tpu.memref_slice %arg4[%dma_start3A_102, %dma_start3A_103] : memref<1000000x32xf32, #tpu.memory_space<hbm>> -> memref<1000000x32xf32, #tpu.memory_space<hbm>>
    tpu.enqueue_indirect_dma source(%dma_start3A_104 : memref<1000000x32xf32, #tpu.memory_space<hbm>>) target(%dma_start3A_101 : memref<16x32xf32, #tpu.memory_space<vmem>>) offsets(%get3A_93 : vector<16xi32>) semaphore(%arg12 : memref<!tpu.dma_semaphore, #tpu.memory_space<semaphore_mem>>)
    %dma_start3A_105 = arith.constant 64 : i32
    %dma_start3A_106 = arith.constant 0 : i32
    %dma_start3A_107 = tpu.memref_slice %arg10[%dma_start3A_105, %dma_start3A_106] : memref<256x32xf32, #tpu.memory_space<vmem>> -> memref<16x32xf32, #tpu.memory_space<vmem>>
    %dma_start3A_108 = arith.constant 0 : i32
    %dma_start3A_109 = arith.constant 0 : i32
    %dma_start3A_110 = tpu.memref_slice %arg5[%dma_start3A_108, %dma_start3A_109] : memref<1000000x32xf32, #tpu.memory_space<hbm>> -> memref<1000000x32xf32, #tpu.memory_space<hbm>>
    tpu.enqueue_indirect_dma source(%dma_start3A_110 : memref<1000000x32xf32, #tpu.memory_space<hbm>>) target(%dma_start3A_107 : memref<16x32xf32, #tpu.memory_space<vmem>>) offsets(%get3A_98 : vector<16xi32>) semaphore(%arg12 : memref<!tpu.dma_semaphore, #tpu.memory_space<semaphore_mem>>)
    %get3A_111 = arith.constant 0 : i32
    %get3A_112 = arith.index_cast %get3A_111 : i32 to index
    %get3A_113 = arith.constant 80 : index
    %get3A_114 = tpu.vector_load %arg7[%get3A_112, %get3A_113] {strides = array<i32>} : memref<4x128xi32, #tpu.memory_space<vmem>>, vector<1x16xi32>,
    %get3A_115 = vector.shape_cast %get3A_114 : vector<1x16xi32> to vector<16xi32>
    %get3A_116 = arith.constant 0 : i32
    %get3A_117 = arith.index_cast %get3A_116 : i32 to index
    %get3A_118 = arith.constant 80 : index
    %get3A_119 = tpu.vector_load %arg8[%get3A_117, %get3A_118] {strides = array<i32>} : memref<4x128xi32, #tpu.memory_space<vmem>>, vector<1x16xi32>,
    %get3A_120 = vector.shape_cast %get3A_119 : vector<1x16xi32> to vector<16xi32>
    %dma_start3A_121 = arith.constant 80 : i32
    %dma_start3A_122 = arith.constant 0 : i32
    %dma_start3A_123 = tpu.memref_slice %arg9[%dma_start3A_121, %dma_start3A_122] : memref<256x32xf32, #tpu.memory_space<vmem>> -> memref<16x32xf32, #tpu.memory_space<vmem>>
    %dma_start3A_124 = arith.constant 0 : i32
    %dma_start3A_125 = arith.constant 0 : i32
    %dma_start3A_126 = tpu.memref_slice %arg4[%dma_start3A_124, %dma_start3A_125] : memref<1000000x32xf32, #tpu.memory_space<hbm>> -> memref<1000000x32xf32, #tpu.memory_space<hbm>>
    tpu.enqueue_indirect_dma source(%dma_start3A_126 : memref<1000000x32xf32, #tpu.memory_space<hbm>>) target(%dma_start3A_123 : memref<16x32xf32, #tpu.memory_space<vmem>>) offsets(%get3A_115 : vector<16xi32>) semaphore(%arg12 : memref<!tpu.dma_semaphore, #tpu.memory_space<semaphore_mem>>)
    %dma_start3A_127 = arith.constant 80 : i32
    %dma_start3A_128 = arith.constant 0 : i32
    %dma_start3A_129 = tpu.memref_slice %arg10[%dma_start3A_127, %dma_start3A_128] : memref<256x32xf32, #tpu.memory_space<vmem>> -> memref<16x32xf32, #tpu.memory_space<vmem>>
    %dma_start3A_130 = arith.constant 0 : i32
    %dma_start3A_131 = arith.constant 0 : i32
    %dma_start3A_132 = tpu.memref_slice %arg5[%dma_start3A_130, %dma_start3A_131] : memref<1000000x32xf32, #tpu.memory_space<hbm>> -> memref<1000000x32xf32, #tpu.memory_space<hbm>>
    tpu.enqueue_indirect_dma source(%dma_start3A_132 : memref<1000000x32xf32, #tpu.memory_space<hbm>>) target(%dma_start3A_129 : memref<16x32xf32, #tpu.memory_space<vmem>>) offsets(%get3A_120 : vector<16xi32>) semaphore(%arg12 : memref<!tpu.dma_semaphore, #tpu.memory_space<semaphore_mem>>)
    %get3A_133 = arith.constant 0 : i32
    %get3A_134 = arith.index_cast %get3A_133 : i32 to index
    %get3A_135 = arith.constant 96 : index
    %get3A_136 = tpu.vector_load %arg7[%get3A_134, %get3A_135] {strides = array<i32>} : memref<4x128xi32, #tpu.memory_space<vmem>>, vector<1x16xi32>,
    %get3A_137 = vector.shape_cast %get3A_136 : vector<1x16xi32> to vector<16xi32>
    %get3A_138 = arith.constant 0 : i32
    %get3A_139 = arith.index_cast %get3A_138 : i32 to index
    %get3A_140 = arith.constant 96 : index
    %get3A_141 = tpu.vector_load %arg8[%get3A_139, %get3A_140] {strides = array<i32>} : memref<4x128xi32, #tpu.memory_space<vmem>>, vector<1x16xi32>,
    %get3A_142 = vector.shape_cast %get3A_141 : vector<1x16xi32> to vector<16xi32>
    %dma_start3A_143 = arith.constant 96 : i32
    %dma_start3A_144 = arith.constant 0 : i32
    %dma_start3A_145 = tpu.memref_slice %arg9[%dma_start3A_143, %dma_start3A_144] : memref<256x32xf32, #tpu.memory_space<vmem>> -> memref<16x32xf32, #tpu.memory_space<vmem>>
    %dma_start3A_146 = arith.constant 0 : i32
    %dma_start3A_147 = arith.constant 0 : i32
    %dma_start3A_148 = tpu.memref_slice %arg4[%dma_start3A_146, %dma_start3A_147] : memref<1000000x32xf32, #tpu.memory_space<hbm>> -> memref<1000000x32xf32, #tpu.memory_space<hbm>>
    tpu.enqueue_indirect_dma source(%dma_start3A_148 : memref<1000000x32xf32, #tpu.memory_space<hbm>>) target(%dma_start3A_145 : memref<16x32xf32, #tpu.memory_space<vmem>>) offsets(%get3A_137 : vector<16xi32>) semaphore(%arg12 : memref<!tpu.dma_semaphore, #tpu.memory_space<semaphore_mem>>)
    %dma_start3A_149 = arith.constant 96 : i32
    %dma_start3A_150 = arith.constant 0 : i32
    %dma_start3A_151 = tpu.memref_slice %arg10[%dma_start3A_149, %dma_start3A_150] : memref<256x32xf32, #tpu.memory_space<vmem>> -> memref<16x32xf32, #tpu.memory_space<vmem>>
    %dma_start3A_152 = arith.constant 0 : i32
    %dma_start3A_153 = arith.constant 0 : i32
    %dma_start3A_154 = tpu.memref_slice %arg5[%dma_start3A_152, %dma_start3A_153] : memref<1000000x32xf32, #tpu.memory_space<hbm>> -> memref<1000000x32xf32, #tpu.memory_space<hbm>>
    tpu.enqueue_indirect_dma source(%dma_start3A_154 : memref<1000000x32xf32, #tpu.memory_space<hbm>>) target(%dma_start3A_151 : memref<16x32xf32, #tpu.memory_space<vmem>>) offsets(%get3A_142 : vector<16xi32>) semaphore(%arg12 : memref<!tpu.dma_semaphore, #tpu.memory_space<semaphore_mem>>)
    %get3A_155 = arith.constant 0 : i32
    %get3A_156 = arith.index_cast %get3A_155 : i32 to index
    %get3A_157 = arith.constant 112 : index
    %get3A_158 = tpu.vector_load %arg7[%get3A_156, %get3A_157] {strides = array<i32>} : memref<4x128xi32, #tpu.memory_space<vmem>>, vector<1x16xi32>,
    %get3A_159 = vector.shape_cast %get3A_158 : vector<1x16xi32> to vector<16xi32>
    %get3A_160 = arith.constant 0 : i32
    %get3A_161 = arith.index_cast %get3A_160 : i32 to index
    %get3A_162 = arith.constant 112 : index
    %get3A_163 = tpu.vector_load %arg8[%get3A_161, %get3A_162] {strides = array<i32>} : memref<4x128xi32, #tpu.memory_space<vmem>>, vector<1x16xi32>,
    %get3A_164 = vector.shape_cast %get3A_163 : vector<1x16xi32> to vector<16xi32>
    %dma_start3A_165 = arith.constant 112 : i32
    %dma_start3A_166 = arith.constant 0 : i32
    %dma_start3A_167 = tpu.memref_slice %arg9[%dma_start3A_165, %dma_start3A_166] : memref<256x32xf32, #tpu.memory_space<vmem>> -> memref<16x32xf32, #tpu.memory_space<vmem>>
    %dma_start3A_168 = arith.constant 0 : i32
    %dma_start3A_169 = arith.constant 0 : i32
    %dma_start3A_170 = tpu.memref_slice %arg4[%dma_start3A_168, %dma_start3A_169] : memref<1000000x32xf32, #tpu.memory_space<hbm>> -> memref<1000000x32xf32, #tpu.memory_space<hbm>>
    tpu.enqueue_indirect_dma source(%dma_start3A_170 : memref<1000000x32xf32, #tpu.memory_space<hbm>>) target(%dma_start3A_167 : memref<16x32xf32, #tpu.memory_space<vmem>>) offsets(%get3A_159 : vector<16xi32>) semaphore(%arg12 : memref<!tpu.dma_semaphore, #tpu.memory_space<semaphore_mem>>)
    %dma_start3A_171 = arith.constant 112 : i32
    %dma_start3A_172 = arith.constant 0 : i32
    %dma_start3A_173 = tpu.memref_slice %arg10[%dma_start3A_171, %dma_start3A_172] : memref<256x32xf32, #tpu.memory_space<vmem>> -> memref<16x32xf32, #tpu.memory_space<vmem>>
    %dma_start3A_174 = arith.constant 0 : i32
    %dma_start3A_175 = arith.constant 0 : i32
    %dma_start3A_176 = tpu.memref_slice %arg5[%dma_start3A_174, %dma_start3A_175] : memref<1000000x32xf32, #tpu.memory_space<hbm>> -> memref<1000000x32xf32, #tpu.memory_space<hbm>>
    tpu.enqueue_indirect_dma source(%dma_start3A_176 : memref<1000000x32xf32, #tpu.memory_space<hbm>>) target(%dma_start3A_173 : memref<16x32xf32, #tpu.memory_space<vmem>>) offsets(%get3A_164 : vector<16xi32>) semaphore(%arg12 : memref<!tpu.dma_semaphore, #tpu.memory_space<semaphore_mem>>)
    %get3A_177 = arith.constant 1 : i32
    %get3A_178 = arith.index_cast %get3A_177 : i32 to index
    %get3A_179 = arith.constant 0 : index
    %get3A_180 = tpu.vector_load %arg7[%get3A_178, %get3A_179] {strides = array<i32>} : memref<4x128xi32, #tpu.memory_space<vmem>>, vector<1x16xi32>,
    %get3A_181 = vector.shape_cast %get3A_180 : vector<1x16xi32> to vector<16xi32>
    %get3A_182 = arith.constant 1 : i32
    %get3A_183 = arith.index_cast %get3A_182 : i32 to index
    %get3A_184 = arith.constant 0 : index
    %get3A_185 = tpu.vector_load %arg8[%get3A_183, %get3A_184] {strides = array<i32>} : memref<4x128xi32, #tpu.memory_space<vmem>>, vector<1x16xi32>,
    %get3A_186 = vector.shape_cast %get3A_185 : vector<1x16xi32> to vector<16xi32>
    %dma_start3A_187 = arith.constant 128 : i32
    %dma_start3A_188 = arith.constant 0 : i32
    %dma_start3A_189 = tpu.memref_slice %arg9[%dma_start3A_187, %dma_start3A_188] : memref<256x32xf32, #tpu.memory_space<vmem>> -> memref<16x32xf32, #tpu.memory_space<vmem>>
    %dma_start3A_190 = arith.constant 0 : i32
    %dma_start3A_191 = arith.constant 0 : i32
    %dma_start3A_192 = tpu.memref_slice %arg4[%dma_start3A_190, %dma_start3A_191] : memref<1000000x32xf32, #tpu.memory_space<hbm>> -> memref<1000000x32xf32, #tpu.memory_space<hbm>>
    tpu.enqueue_indirect_dma source(%dma_start3A_192 : memref<1000000x32xf32, #tpu.memory_space<hbm>>) target(%dma_start3A_189 : memref<16x32xf32, #tpu.memory_space<vmem>>) offsets(%get3A_181 : vector<16xi32>) semaphore(%arg12 : memref<!tpu.dma_semaphore, #tpu.memory_space<semaphore_mem>>)
    %dma_start3A_193 = arith.constant 128 : i32
    %dma_start3A_194 = arith.constant 0 : i32
    %dma_start3A_195 = tpu.memref_slice %arg10[%dma_start3A_193, %dma_start3A_194] : memref<256x32xf32, #tpu.memory_space<vmem>> -> memref<16x32xf32, #tpu.memory_space<vmem>>
    %dma_start3A_196 = arith.constant 0 : i32
    %dma_start3A_197 = arith.constant 0 : i32
    %dma_start3A_198 = tpu.memref_slice %arg5[%dma_start3A_196, %dma_start3A_197] : memref<1000000x32xf32, #tpu.memory_space<hbm>> -> memref<1000000x32xf32, #tpu.memory_space<hbm>>
    tpu.enqueue_indirect_dma source(%dma_start3A_198 : memref<1000000x32xf32, #tpu.memory_space<hbm>>) target(%dma_start3A_195 : memref<16x32xf32, #tpu.memory_space<vmem>>) offsets(%get3A_186 : vector<16xi32>) semaphore(%arg12 : memref<!tpu.dma_semaphore, #tpu.memory_space<semaphore_mem>>)
    %get3A_199 = arith.constant 1 : i32
    %get3A_200 = arith.index_cast %get3A_199 : i32 to index
    %get3A_201 = arith.constant 16 : index
    %get3A_202 = tpu.vector_load %arg7[%get3A_200, %get3A_201] {strides = array<i32>} : memref<4x128xi32, #tpu.memory_space<vmem>>, vector<1x16xi32>,
    %get3A_203 = vector.shape_cast %get3A_202 : vector<1x16xi32> to vector<16xi32>
    %get3A_204 = arith.constant 1 : i32
    %get3A_205 = arith.index_cast %get3A_204 : i32 to index
    %get3A_206 = arith.constant 16 : index
    %get3A_207 = tpu.vector_load %arg8[%get3A_205, %get3A_206] {strides = array<i32>} : memref<4x128xi32, #tpu.memory_space<vmem>>, vector<1x16xi32>,
    %get3A_208 = vector.shape_cast %get3A_207 : vector<1x16xi32> to vector<16xi32>
    %dma_start3A_209 = arith.constant 144 : i32
    %dma_start3A_210 = arith.constant 0 : i32
    %dma_start3A_211 = tpu.memref_slice %arg9[%dma_start3A_209, %dma_start3A_210] : memref<256x32xf32, #tpu.memory_space<vmem>> -> memref<16x32xf32, #tpu.memory_space<vmem>>
    %dma_start3A_212 = arith.constant 0 : i32
    %dma_start3A_213 = arith.constant 0 : i32
    %dma_start3A_214 = tpu.memref_slice %arg4[%dma_start3A_212, %dma_start3A_213] : memref<1000000x32xf32, #tpu.memory_space<hbm>> -> memref<1000000x32xf32, #tpu.memory_space<hbm>>
    tpu.enqueue_indirect_dma source(%dma_start3A_214 : memref<1000000x32xf32, #tpu.memory_space<hbm>>) target(%dma_start3A_211 : memref<16x32xf32, #tpu.memory_space<vmem>>) offsets(%get3A_203 : vector<16xi32>) semaphore(%arg12 : memref<!tpu.dma_semaphore, #tpu.memory_space<semaphore_mem>>)
    %dma_start3A_215 = arith.constant 144 : i32
    %dma_start3A_216 = arith.constant 0 : i32
    %dma_start3A_217 = tpu.memref_slice %arg10[%dma_start3A_215, %dma_start3A_216] : memref<256x32xf32, #tpu.memory_space<vmem>> -> memref<16x32xf32, #tpu.memory_space<vmem>>
    %dma_start3A_218 = arith.constant 0 : i32
    %dma_start3A_219 = arith.constant 0 : i32
    %dma_start3A_220 = tpu.memref_slice %arg5[%dma_start3A_218, %dma_start3A_219] : memref<1000000x32xf32, #tpu.memory_space<hbm>> -> memref<1000000x32xf32, #tpu.memory_space<hbm>>
    tpu.enqueue_indirect_dma source(%dma_start3A_220 : memref<1000000x32xf32, #tpu.memory_space<hbm>>) target(%dma_start3A_217 : memref<16x32xf32, #tpu.memory_space<vmem>>) offsets(%get3A_208 : vector<16xi32>) semaphore(%arg12 : memref<!tpu.dma_semaphore, #tpu.memory_space<semaphore_mem>>)
    %get3A_221 = arith.constant 1 : i32
    %get3A_222 = arith.index_cast %get3A_221 : i32 to index
    %get3A_223 = arith.constant 32 : index
    %get3A_224 = tpu.vector_load %arg7[%get3A_222, %get3A_223] {strides = array<i32>} : memref<4x128xi32, #tpu.memory_space<vmem>>, vector<1x16xi32>,
    %get3A_225 = vector.shape_cast %get3A_224 : vector<1x16xi32> to vector<16xi32>
    %get3A_226 = arith.constant 1 : i32
    %get3A_227 = arith.index_cast %get3A_226 : i32 to index
    %get3A_228 = arith.constant 32 : index
    %get3A_229 = tpu.vector_load %arg8[%get3A_227, %get3A_228] {strides = array<i32>} : memref<4x128xi32, #tpu.memory_space<vmem>>, vector<1x16xi32>,
    %get3A_230 = vector.shape_cast %get3A_229 : vector<1x16xi32> to vector<16xi32>
    %dma_start3A_231 = arith.constant 160 : i32
    %dma_start3A_232 = arith.constant 0 : i32
    %dma_start3A_233 = tpu.memref_slice %arg9[%dma_start3A_231, %dma_start3A_232] : memref<256x32xf32, #tpu.memory_space<vmem>> -> memref<16x32xf32, #tpu.memory_space<vmem>>
    %dma_start3A_234 = arith.constant 0 : i32
    %dma_start3A_235 = arith.constant 0 : i32
    %dma_start3A_236 = tpu.memref_slice %arg4[%dma_start3A_234, %dma_start3A_235] : memref<1000000x32xf32, #tpu.memory_space<hbm>> -> memref<1000000x32xf32, #tpu.memory_space<hbm>>
    tpu.enqueue_indirect_dma source(%dma_start3A_236 : memref<1000000x32xf32, #tpu.memory_space<hbm>>) target(%dma_start3A_233 : memref<16x32xf32, #tpu.memory_space<vmem>>) offsets(%get3A_225 : vector<16xi32>) semaphore(%arg12 : memref<!tpu.dma_semaphore, #tpu.memory_space<semaphore_mem>>)
    %dma_start3A_237 = arith.constant 160 : i32
    %dma_start3A_238 = arith.constant 0 : i32
    %dma_start3A_239 = tpu.memref_slice %arg10[%dma_start3A_237, %dma_start3A_238] : memref<256x32xf32, #tpu.memory_space<vmem>> -> memref<16x32xf32, #tpu.memory_space<vmem>>
    %dma_start3A_240 = arith.constant 0 : i32
    %dma_start3A_241 = arith.constant 0 : i32
    %dma_start3A_242 = tpu.memref_slice %arg5[%dma_start3A_240, %dma_start3A_241] : memref<1000000x32xf32, #tpu.memory_space<hbm>> -> memref<1000000x32xf32, #tpu.memory_space<hbm>>
    tpu.enqueue_indirect_dma source(%dma_start3A_242 : memref<1000000x32xf32, #tpu.memory_space<hbm>>) target(%dma_start3A_239 : memref<16x32xf32, #tpu.memory_space<vmem>>) offsets(%get3A_230 : vector<16xi32>) semaphore(%arg12 : memref<!tpu.dma_semaphore, #tpu.memory_space<semaphore_mem>>)
    %get3A_243 = arith.constant 1 : i32
    %get3A_244 = arith.index_cast %get3A_243 : i32 to index
    %get3A_245 = arith.constant 48 : index
    %get3A_246 = tpu.vector_load %arg7[%get3A_244, %get3A_245] {strides = array<i32>} : memref<4x128xi32, #tpu.memory_space<vmem>>, vector<1x16xi32>,
    %get3A_247 = vector.shape_cast %get3A_246 : vector<1x16xi32> to vector<16xi32>
    %get3A_248 = arith.constant 1 : i32
    %get3A_249 = arith.index_cast %get3A_248 : i32 to index
    %get3A_250 = arith.constant 48 : index
    %get3A_251 = tpu.vector_load %arg8[%get3A_249, %get3A_250] {strides = array<i32>} : memref<4x128xi32, #tpu.memory_space<vmem>>, vector<1x16xi32>,
    %get3A_252 = vector.shape_cast %get3A_251 : vector<1x16xi32> to vector<16xi32>
    %dma_start3A_253 = arith.constant 176 : i32
    %dma_start3A_254 = arith.constant 0 : i32
    %dma_start3A_255 = tpu.memref_slice %arg9[%dma_start3A_253, %dma_start3A_254] : memref<256x32xf32, #tpu.memory_space<vmem>> -> memref<16x32xf32, #tpu.memory_space<vmem>>
    %dma_start3A_256 = arith.constant 0 : i32
    %dma_start3A_257 = arith.constant 0 : i32
    %dma_start3A_258 = tpu.memref_slice %arg4[%dma_start3A_256, %dma_start3A_257] : memref<1000000x32xf32, #tpu.memory_space<hbm>> -> memref<1000000x32xf32, #tpu.memory_space<hbm>>
    tpu.enqueue_indirect_dma source(%dma_start3A_258 : memref<1000000x32xf32, #tpu.memory_space<hbm>>) target(%dma_start3A_255 : memref<16x32xf32, #tpu.memory_space<vmem>>) offsets(%get3A_247 : vector<16xi32>) semaphore(%arg12 : memref<!tpu.dma_semaphore, #tpu.memory_space<semaphore_mem>>)
    %dma_start3A_259 = arith.constant 176 : i32
    %dma_start3A_260 = arith.constant 0 : i32
    %dma_start3A_261 = tpu.memref_slice %arg10[%dma_start3A_259, %dma_start3A_260] : memref<256x32xf32, #tpu.memory_space<vmem>> -> memref<16x32xf32, #tpu.memory_space<vmem>>
    %dma_start3A_262 = arith.constant 0 : i32
    %dma_start3A_263 = arith.constant 0 : i32
    %dma_start3A_264 = tpu.memref_slice %arg5[%dma_start3A_262, %dma_start3A_263] : memref<1000000x32xf32, #tpu.memory_space<hbm>> -> memref<1000000x32xf32, #tpu.memory_space<hbm>>
    tpu.enqueue_indirect_dma source(%dma_start3A_264 : memref<1000000x32xf32, #tpu.memory_space<hbm>>) target(%dma_start3A_261 : memref<16x32xf32, #tpu.memory_space<vmem>>) offsets(%get3A_252 : vector<16xi32>) semaphore(%arg12 : memref<!tpu.dma_semaphore, #tpu.memory_space<semaphore_mem>>)
    %get3A_265 = arith.constant 1 : i32
    %get3A_266 = arith.index_cast %get3A_265 : i32 to index
    %get3A_267 = arith.constant 64 : index
    %get3A_268 = tpu.vector_load %arg7[%get3A_266, %get3A_267] {strides = array<i32>} : memref<4x128xi32, #tpu.memory_space<vmem>>, vector<1x16xi32>,
    %get3A_269 = vector.shape_cast %get3A_268 : vector<1x16xi32> to vector<16xi32>
    %get3A_270 = arith.constant 1 : i32
    %get3A_271 = arith.index_cast %get3A_270 : i32 to index
    %get3A_272 = arith.constant 64 : index
    %get3A_273 = tpu.vector_load %arg8[%get3A_271, %get3A_272] {strides = array<i32>} : memref<4x128xi32, #tpu.memory_space<vmem>>, vector<1x16xi32>,
    %get3A_274 = vector.shape_cast %get3A_273 : vector<1x16xi32> to vector<16xi32>
    %dma_start3A_275 = arith.constant 192 : i32
    %dma_start3A_276 = arith.constant 0 : i32
    %dma_start3A_277 = tpu.memref_slice %arg9[%dma_start3A_275, %dma_start3A_276] : memref<256x32xf32, #tpu.memory_space<vmem>> -> memref<16x32xf32, #tpu.memory_space<vmem>>
    %dma_start3A_278 = arith.constant 0 : i32
    %dma_start3A_279 = arith.constant 0 : i32
    %dma_start3A_280 = tpu.memref_slice %arg4[%dma_start3A_278, %dma_start3A_279] : memref<1000000x32xf32, #tpu.memory_space<hbm>> -> memref<1000000x32xf32, #tpu.memory_space<hbm>>
    tpu.enqueue_indirect_dma source(%dma_start3A_280 : memref<1000000x32xf32, #tpu.memory_space<hbm>>) target(%dma_start3A_277 : memref<16x32xf32, #tpu.memory_space<vmem>>) offsets(%get3A_269 : vector<16xi32>) semaphore(%arg12 : memref<!tpu.dma_semaphore, #tpu.memory_space<semaphore_mem>>)
    %dma_start3A_281 = arith.constant 192 : i32
    %dma_start3A_282 = arith.constant 0 : i32
    %dma_start3A_283 = tpu.memref_slice %arg10[%dma_start3A_281, %dma_start3A_282] : memref<256x32xf32, #tpu.memory_space<vmem>> -> memref<16x32xf32, #tpu.memory_space<vmem>>
    %dma_start3A_284 = arith.constant 0 : i32
    %dma_start3A_285 = arith.constant 0 : i32
    %dma_start3A_286 = tpu.memref_slice %arg5[%dma_start3A_284, %dma_start3A_285] : memref<1000000x32xf32, #tpu.memory_space<hbm>> -> memref<1000000x32xf32, #tpu.memory_space<hbm>>
    tpu.enqueue_indirect_dma source(%dma_start3A_286 : memref<1000000x32xf32, #tpu.memory_space<hbm>>) target(%dma_start3A_283 : memref<16x32xf32, #tpu.memory_space<vmem>>) offsets(%get3A_274 : vector<16xi32>) semaphore(%arg12 : memref<!tpu.dma_semaphore, #tpu.memory_space<semaphore_mem>>)
    %get3A_287 = arith.constant 1 : i32
    %get3A_288 = arith.index_cast %get3A_287 : i32 to index
    %get3A_289 = arith.constant 80 : index
    %get3A_290 = tpu.vector_load %arg7[%get3A_288, %get3A_289] {strides = array<i32>} : memref<4x128xi32, #tpu.memory_space<vmem>>, vector<1x16xi32>,
    %get3A_291 = vector.shape_cast %get3A_290 : vector<1x16xi32> to vector<16xi32>
    %get3A_292 = arith.constant 1 : i32
    %get3A_293 = arith.index_cast %get3A_292 : i32 to index
    %get3A_294 = arith.constant 80 : index
    %get3A_295 = tpu.vector_load %arg8[%get3A_293, %get3A_294] {strides = array<i32>} : memref<4x128xi32, #tpu.memory_space<vmem>>, vector<1x16xi32>,
    %get3A_296 = vector.shape_cast %get3A_295 : vector<1x16xi32> to vector<16xi32>
    %dma_start3A_297 = arith.constant 208 : i32
    %dma_start3A_298 = arith.constant 0 : i32
    %dma_start3A_299 = tpu.memref_slice %arg9[%dma_start3A_297, %dma_start3A_298] : memref<256x32xf32, #tpu.memory_space<vmem>> -> memref<16x32xf32, #tpu.memory_space<vmem>>
    %dma_start3A_300 = arith.constant 0 : i32
    %dma_start3A_301 = arith.constant 0 : i32
    %dma_start3A_302 = tpu.memref_slice %arg4[%dma_start3A_300, %dma_start3A_301] : memref<1000000x32xf32, #tpu.memory_space<hbm>> -> memref<1000000x32xf32, #tpu.memory_space<hbm>>
    tpu.enqueue_indirect_dma source(%dma_start3A_302 : memref<1000000x32xf32, #tpu.memory_space<hbm>>) target(%dma_start3A_299 : memref<16x32xf32, #tpu.memory_space<vmem>>) offsets(%get3A_291 : vector<16xi32>) semaphore(%arg12 : memref<!tpu.dma_semaphore, #tpu.memory_space<semaphore_mem>>)
    %dma_start3A_303 = arith.constant 208 : i32
    %dma_start3A_304 = arith.constant 0 : i32
    %dma_start3A_305 = tpu.memref_slice %arg10[%dma_start3A_303, %dma_start3A_304] : memref<256x32xf32, #tpu.memory_space<vmem>> -> memref<16x32xf32, #tpu.memory_space<vmem>>
    %dma_start3A_306 = arith.constant 0 : i32
    %dma_start3A_307 = arith.constant 0 : i32
    %dma_start3A_308 = tpu.memref_slice %arg5[%dma_start3A_306, %dma_start3A_307] : memref<1000000x32xf32, #tpu.memory_space<hbm>> -> memref<1000000x32xf32, #tpu.memory_space<hbm>>
    tpu.enqueue_indirect_dma source(%dma_start3A_308 : memref<1000000x32xf32, #tpu.memory_space<hbm>>) target(%dma_start3A_305 : memref<16x32xf32, #tpu.memory_space<vmem>>) offsets(%get3A_296 : vector<16xi32>) semaphore(%arg12 : memref<!tpu.dma_semaphore, #tpu.memory_space<semaphore_mem>>)
    %get3A_309 = arith.constant 1 : i32
    %get3A_310 = arith.index_cast %get3A_309 : i32 to index
    %get3A_311 = arith.constant 96 : index
    %get3A_312 = tpu.vector_load %arg7[%get3A_310, %get3A_311] {strides = array<i32>} : memref<4x128xi32, #tpu.memory_space<vmem>>, vector<1x16xi32>,
    %get3A_313 = vector.shape_cast %get3A_312 : vector<1x16xi32> to vector<16xi32>
    %get3A_314 = arith.constant 1 : i32
    %get3A_315 = arith.index_cast %get3A_314 : i32 to index
    %get3A_316 = arith.constant 96 : index
    %get3A_317 = tpu.vector_load %arg8[%get3A_315, %get3A_316] {strides = array<i32>} : memref<4x128xi32, #tpu.memory_space<vmem>>, vector<1x16xi32>,
    %get3A_318 = vector.shape_cast %get3A_317 : vector<1x16xi32> to vector<16xi32>
    %dma_start3A_319 = arith.constant 224 : i32
    %dma_start3A_320 = arith.constant 0 : i32
    %dma_start3A_321 = tpu.memref_slice %arg9[%dma_start3A_319, %dma_start3A_320] : memref<256x32xf32, #tpu.memory_space<vmem>> -> memref<16x32xf32, #tpu.memory_space<vmem>>
    %dma_start3A_322 = arith.constant 0 : i32
    %dma_start3A_323 = arith.constant 0 : i32
    %dma_start3A_324 = tpu.memref_slice %arg4[%dma_start3A_322, %dma_start3A_323] : memref<1000000x32xf32, #tpu.memory_space<hbm>> -> memref<1000000x32xf32, #tpu.memory_space<hbm>>
    tpu.enqueue_indirect_dma source(%dma_start3A_324 : memref<1000000x32xf32, #tpu.memory_space<hbm>>) target(%dma_start3A_321 : memref<16x32xf32, #tpu.memory_space<vmem>>) offsets(%get3A_313 : vector<16xi32>) semaphore(%arg12 : memref<!tpu.dma_semaphore, #tpu.memory_space<semaphore_mem>>)
    %dma_start3A_325 = arith.constant 224 : i32
    %dma_start3A_326 = arith.constant 0 : i32
    %dma_start3A_327 = tpu.memref_slice %arg10[%dma_start3A_325, %dma_start3A_326] : memref<256x32xf32, #tpu.memory_space<vmem>> -> memref<16x32xf32, #tpu.memory_space<vmem>>
    %dma_start3A_328 = arith.constant 0 : i32
    %dma_start3A_329 = arith.constant 0 : i32
    %dma_start3A_330 = tpu.memref_slice %arg5[%dma_start3A_328, %dma_start3A_329] : memref<1000000x32xf32, #tpu.memory_space<hbm>> -> memref<1000000x32xf32, #tpu.memory_space<hbm>>
    tpu.enqueue_indirect_dma source(%dma_start3A_330 : memref<1000000x32xf32, #tpu.memory_space<hbm>>) target(%dma_start3A_327 : memref<16x32xf32, #tpu.memory_space<vmem>>) offsets(%get3A_318 : vector<16xi32>) semaphore(%arg12 : memref<!tpu.dma_semaphore, #tpu.memory_space<semaphore_mem>>)
    %get3A_331 = arith.constant 1 : i32
    %get3A_332 = arith.index_cast %get3A_331 : i32 to index
    %get3A_333 = arith.constant 112 : index
    %get3A_334 = tpu.vector_load %arg7[%get3A_332, %get3A_333] {strides = array<i32>} : memref<4x128xi32, #tpu.memory_space<vmem>>, vector<1x16xi32>,
    %get3A_335 = vector.shape_cast %get3A_334 : vector<1x16xi32> to vector<16xi32>
    %get3A_336 = arith.constant 1 : i32
    %get3A_337 = arith.index_cast %get3A_336 : i32 to index
    %get3A_338 = arith.constant 112 : index
    %get3A_339 = tpu.vector_load %arg8[%get3A_337, %get3A_338] {strides = array<i32>} : memref<4x128xi32, #tpu.memory_space<vmem>>, vector<1x16xi32>,
    %get3A_340 = vector.shape_cast %get3A_339 : vector<1x16xi32> to vector<16xi32>
    %dma_start3A_341 = arith.constant 240 : i32
    %dma_start3A_342 = arith.constant 0 : i32
    %dma_start3A_343 = tpu.memref_slice %arg9[%dma_start3A_341, %dma_start3A_342] : memref<256x32xf32, #tpu.memory_space<vmem>> -> memref<16x32xf32, #tpu.memory_space<vmem>>
    %dma_start3A_344 = arith.constant 0 : i32
    %dma_start3A_345 = arith.constant 0 : i32
    %dma_start3A_346 = tpu.memref_slice %arg4[%dma_start3A_344, %dma_start3A_345] : memref<1000000x32xf32, #tpu.memory_space<hbm>> -> memref<1000000x32xf32, #tpu.memory_space<hbm>>
    tpu.enqueue_indirect_dma source(%dma_start3A_346 : memref<1000000x32xf32, #tpu.memory_space<hbm>>) target(%dma_start3A_343 : memref<16x32xf32, #tpu.memory_space<vmem>>) offsets(%get3A_335 : vector<16xi32>) semaphore(%arg12 : memref<!tpu.dma_semaphore, #tpu.memory_space<semaphore_mem>>)
    %dma_start3A_347 = arith.constant 240 : i32
    %dma_start3A_348 = arith.constant 0 : i32
    %dma_start3A_349 = tpu.memref_slice %arg10[%dma_start3A_347, %dma_start3A_348] : memref<256x32xf32, #tpu.memory_space<vmem>> -> memref<16x32xf32, #tpu.memory_space<vmem>>
    %dma_start3A_350 = arith.constant 0 : i32
    %dma_start3A_351 = arith.constant 0 : i32
    %dma_start3A_352 = tpu.memref_slice %arg5[%dma_start3A_350, %dma_start3A_351] : memref<1000000x32xf32, #tpu.memory_space<hbm>> -> memref<1000000x32xf32, #tpu.memory_space<hbm>>
    tpu.enqueue_indirect_dma source(%dma_start3A_352 : memref<1000000x32xf32, #tpu.memory_space<hbm>>) target(%dma_start3A_349 : memref<16x32xf32, #tpu.memory_space<vmem>>) offsets(%get3A_340 : vector<16xi32>) semaphore(%arg12 : memref<!tpu.dma_semaphore, #tpu.memory_space<semaphore_mem>>)
    %dma_wait3A = arith.constant 0 : i32
    %dma_wait3A_353 = arith.constant 0 : i32
    %dma_wait3A_354 = tpu.memref_slice %arg9[%dma_wait3A, %dma_wait3A_353] : memref<256x32xf32, #tpu.memory_space<vmem>> -> memref<16x32xf32, #tpu.memory_space<vmem>>
    %dma_wait3A_355 = arith.constant 0 : i32
    %dma_wait3A_356 = arith.constant 0 : i32
    %dma_wait3A_357 = tpu.memref_slice %arg4[%dma_wait3A_355, %dma_wait3A_356] : memref<1000000x32xf32, #tpu.memory_space<hbm>> -> memref<1000000x32xf32, #tpu.memory_space<hbm>>
    tpu.wait_indirect_dma semaphore(%arg12 : memref<!tpu.dma_semaphore, #tpu.memory_space<semaphore_mem>>) src(%dma_wait3A_357 : memref<1000000x32xf32, #tpu.memory_space<hbm>>) dst(%dma_wait3A_354 : memref<16x32xf32, #tpu.memory_space<vmem>>)
    %dma_wait3A_358 = arith.constant 0 : i32
    %dma_wait3A_359 = arith.constant 0 : i32
    %dma_wait3A_360 = tpu.memref_slice %arg10[%dma_wait3A_358, %dma_wait3A_359] : memref<256x32xf32, #tpu.memory_space<vmem>> -> memref<16x32xf32, #tpu.memory_space<vmem>>
    %dma_wait3A_361 = arith.constant 0 : i32
    %dma_wait3A_362 = arith.constant 0 : i32
    %dma_wait3A_363 = tpu.memref_slice %arg5[%dma_wait3A_361, %dma_wait3A_362] : memref<1000000x32xf32, #tpu.memory_space<hbm>> -> memref<1000000x32xf32, #tpu.memory_space<hbm>>
    tpu.wait_indirect_dma semaphore(%arg12 : memref<!tpu.dma_semaphore, #tpu.memory_space<semaphore_mem>>) src(%dma_wait3A_363 : memref<1000000x32xf32, #tpu.memory_space<hbm>>) dst(%dma_wait3A_360 : memref<16x32xf32, #tpu.memory_space<vmem>>)
    %dma_wait3A_364 = arith.constant 16 : i32
    %dma_wait3A_365 = arith.constant 0 : i32
    %dma_wait3A_366 = tpu.memref_slice %arg9[%dma_wait3A_364, %dma_wait3A_365] : memref<256x32xf32, #tpu.memory_space<vmem>> -> memref<16x32xf32, #tpu.memory_space<vmem>>
    %dma_wait3A_367 = arith.constant 0 : i32
    %dma_wait3A_368 = arith.constant 0 : i32
    %dma_wait3A_369 = tpu.memref_slice %arg4[%dma_wait3A_367, %dma_wait3A_368] : memref<1000000x32xf32, #tpu.memory_space<hbm>> -> memref<1000000x32xf32, #tpu.memory_space<hbm>>
    tpu.wait_indirect_dma semaphore(%arg12 : memref<!tpu.dma_semaphore, #tpu.memory_space<semaphore_mem>>) src(%dma_wait3A_369 : memref<1000000x32xf32, #tpu.memory_space<hbm>>) dst(%dma_wait3A_366 : memref<16x32xf32, #tpu.memory_space<vmem>>)
    %dma_wait3A_370 = arith.constant 16 : i32
    %dma_wait3A_371 = arith.constant 0 : i32
    %dma_wait3A_372 = tpu.memref_slice %arg10[%dma_wait3A_370, %dma_wait3A_371] : memref<256x32xf32, #tpu.memory_space<vmem>> -> memref<16x32xf32, #tpu.memory_space<vmem>>
    %dma_wait3A_373 = arith.constant 0 : i32
    %dma_wait3A_374 = arith.constant 0 : i32
    %dma_wait3A_375 = tpu.memref_slice %arg5[%dma_wait3A_373, %dma_wait3A_374] : memref<1000000x32xf32, #tpu.memory_space<hbm>> -> memref<1000000x32xf32, #tpu.memory_space<hbm>>
    tpu.wait_indirect_dma semaphore(%arg12 : memref<!tpu.dma_semaphore, #tpu.memory_space<semaphore_mem>>) src(%dma_wait3A_375 : memref<1000000x32xf32, #tpu.memory_space<hbm>>) dst(%dma_wait3A_372 : memref<16x32xf32, #tpu.memory_space<vmem>>)
    %dma_wait3A_376 = arith.constant 32 : i32
    %dma_wait3A_377 = arith.constant 0 : i32
    %dma_wait3A_378 = tpu.memref_slice %arg9[%dma_wait3A_376, %dma_wait3A_377] : memref<256x32xf32, #tpu.memory_space<vmem>> -> memref<16x32xf32, #tpu.memory_space<vmem>>
    %dma_wait3A_379 = arith.constant 0 : i32
    %dma_wait3A_380 = arith.constant 0 : i32
    %dma_wait3A_381 = tpu.memref_slice %arg4[%dma_wait3A_379, %dma_wait3A_380] : memref<1000000x32xf32, #tpu.memory_space<hbm>> -> memref<1000000x32xf32, #tpu.memory_space<hbm>>
    tpu.wait_indirect_dma semaphore(%arg12 : memref<!tpu.dma_semaphore, #tpu.memory_space<semaphore_mem>>) src(%dma_wait3A_381 : memref<1000000x32xf32, #tpu.memory_space<hbm>>) dst(%dma_wait3A_378 : memref<16x32xf32, #tpu.memory_space<vmem>>)
    %dma_wait3A_382 = arith.constant 32 : i32
    %dma_wait3A_383 = arith.constant 0 : i32
    %dma_wait3A_384 = tpu.memref_slice %arg10[%dma_wait3A_382, %dma_wait3A_383] : memref<256x32xf32, #tpu.memory_space<vmem>> -> memref<16x32xf32, #tpu.memory_space<vmem>>
    %dma_wait3A_385 = arith.constant 0 : i32
    %dma_wait3A_386 = arith.constant 0 : i32
    %dma_wait3A_387 = tpu.memref_slice %arg5[%dma_wait3A_385, %dma_wait3A_386] : memref<1000000x32xf32, #tpu.memory_space<hbm>> -> memref<1000000x32xf32, #tpu.memory_space<hbm>>
    tpu.wait_indirect_dma semaphore(%arg12 : memref<!tpu.dma_semaphore, #tpu.memory_space<semaphore_mem>>) src(%dma_wait3A_387 : memref<1000000x32xf32, #tpu.memory_space<hbm>>) dst(%dma_wait3A_384 : memref<16x32xf32, #tpu.memory_space<vmem>>)
    %dma_wait3A_388 = arith.constant 48 : i32
    %dma_wait3A_389 = arith.constant 0 : i32
    %dma_wait3A_390 = tpu.memref_slice %arg9[%dma_wait3A_388, %dma_wait3A_389] : memref<256x32xf32, #tpu.memory_space<vmem>> -> memref<16x32xf32, #tpu.memory_space<vmem>>
    %dma_wait3A_391 = arith.constant 0 : i32
    %dma_wait3A_392 = arith.constant 0 : i32
    %dma_wait3A_393 = tpu.memref_slice %arg4[%dma_wait3A_391, %dma_wait3A_392] : memref<1000000x32xf32, #tpu.memory_space<hbm>> -> memref<1000000x32xf32, #tpu.memory_space<hbm>>
    tpu.wait_indirect_dma semaphore(%arg12 : memref<!tpu.dma_semaphore, #tpu.memory_space<semaphore_mem>>) src(%dma_wait3A_393 : memref<1000000x32xf32, #tpu.memory_space<hbm>>) dst(%dma_wait3A_390 : memref<16x32xf32, #tpu.memory_space<vmem>>)
    %dma_wait3A_394 = arith.constant 48 : i32
    %dma_wait3A_395 = arith.constant 0 : i32
    %dma_wait3A_396 = tpu.memref_slice %arg10[%dma_wait3A_394, %dma_wait3A_395] : memref<256x32xf32, #tpu.memory_space<vmem>> -> memref<16x32xf32, #tpu.memory_space<vmem>>
    %dma_wait3A_397 = arith.constant 0 : i32
    %dma_wait3A_398 = arith.constant 0 : i32
    %dma_wait3A_399 = tpu.memref_slice %arg5[%dma_wait3A_397, %dma_wait3A_398] : memref<1000000x32xf32, #tpu.memory_space<hbm>> -> memref<1000000x32xf32, #tpu.memory_space<hbm>>
    tpu.wait_indirect_dma semaphore(%arg12 : memref<!tpu.dma_semaphore, #tpu.memory_space<semaphore_mem>>) src(%dma_wait3A_399 : memref<1000000x32xf32, #tpu.memory_space<hbm>>) dst(%dma_wait3A_396 : memref<16x32xf32, #tpu.memory_space<vmem>>)
    %dma_wait3A_400 = arith.constant 64 : i32
    %dma_wait3A_401 = arith.constant 0 : i32
    %dma_wait3A_402 = tpu.memref_slice %arg9[%dma_wait3A_400, %dma_wait3A_401] : memref<256x32xf32, #tpu.memory_space<vmem>> -> memref<16x32xf32, #tpu.memory_space<vmem>>
    %dma_wait3A_403 = arith.constant 0 : i32
    %dma_wait3A_404 = arith.constant 0 : i32
    %dma_wait3A_405 = tpu.memref_slice %arg4[%dma_wait3A_403, %dma_wait3A_404] : memref<1000000x32xf32, #tpu.memory_space<hbm>> -> memref<1000000x32xf32, #tpu.memory_space<hbm>>
    tpu.wait_indirect_dma semaphore(%arg12 : memref<!tpu.dma_semaphore, #tpu.memory_space<semaphore_mem>>) src(%dma_wait3A_405 : memref<1000000x32xf32, #tpu.memory_space<hbm>>) dst(%dma_wait3A_402 : memref<16x32xf32, #tpu.memory_space<vmem>>)
    %dma_wait3A_406 = arith.constant 64 : i32
    %dma_wait3A_407 = arith.constant 0 : i32
    %dma_wait3A_408 = tpu.memref_slice %arg10[%dma_wait3A_406, %dma_wait3A_407] : memref<256x32xf32, #tpu.memory_space<vmem>> -> memref<16x32xf32, #tpu.memory_space<vmem>>
    %dma_wait3A_409 = arith.constant 0 : i32
    %dma_wait3A_410 = arith.constant 0 : i32
    %dma_wait3A_411 = tpu.memref_slice %arg5[%dma_wait3A_409, %dma_wait3A_410] : memref<1000000x32xf32, #tpu.memory_space<hbm>> -> memref<1000000x32xf32, #tpu.memory_space<hbm>>
    tpu.wait_indirect_dma semaphore(%arg12 : memref<!tpu.dma_semaphore, #tpu.memory_space<semaphore_mem>>) src(%dma_wait3A_411 : memref<1000000x32xf32, #tpu.memory_space<hbm>>) dst(%dma_wait3A_408 : memref<16x32xf32, #tpu.memory_space<vmem>>)
    %dma_wait3A_412 = arith.constant 80 : i32
    %dma_wait3A_413 = arith.constant 0 : i32
    %dma_wait3A_414 = tpu.memref_slice %arg9[%dma_wait3A_412, %dma_wait3A_413] : memref<256x32xf32, #tpu.memory_space<vmem>> -> memref<16x32xf32, #tpu.memory_space<vmem>>
    %dma_wait3A_415 = arith.constant 0 : i32
    %dma_wait3A_416 = arith.constant 0 : i32
    %dma_wait3A_417 = tpu.memref_slice %arg4[%dma_wait3A_415, %dma_wait3A_416] : memref<1000000x32xf32, #tpu.memory_space<hbm>> -> memref<1000000x32xf32, #tpu.memory_space<hbm>>
    tpu.wait_indirect_dma semaphore(%arg12 : memref<!tpu.dma_semaphore, #tpu.memory_space<semaphore_mem>>) src(%dma_wait3A_417 : memref<1000000x32xf32, #tpu.memory_space<hbm>>) dst(%dma_wait3A_414 : memref<16x32xf32, #tpu.memory_space<vmem>>)
    %dma_wait3A_418 = arith.constant 80 : i32
    %dma_wait3A_419 = arith.constant 0 : i32
    %dma_wait3A_420 = tpu.memref_slice %arg10[%dma_wait3A_418, %dma_wait3A_419] : memref<256x32xf32, #tpu.memory_space<vmem>> -> memref<16x32xf32, #tpu.memory_space<vmem>>
    %dma_wait3A_421 = arith.constant 0 : i32
    %dma_wait3A_422 = arith.constant 0 : i32
    %dma_wait3A_423 = tpu.memref_slice %arg5[%dma_wait3A_421, %dma_wait3A_422] : memref<1000000x32xf32, #tpu.memory_space<hbm>> -> memref<1000000x32xf32, #tpu.memory_space<hbm>>
    tpu.wait_indirect_dma semaphore(%arg12 : memref<!tpu.dma_semaphore, #tpu.memory_space<semaphore_mem>>) src(%dma_wait3A_423 : memref<1000000x32xf32, #tpu.memory_space<hbm>>) dst(%dma_wait3A_420 : memref<16x32xf32, #tpu.memory_space<vmem>>)
    %dma_wait3A_424 = arith.constant 96 : i32
    %dma_wait3A_425 = arith.constant 0 : i32
    %dma_wait3A_426 = tpu.memref_slice %arg9[%dma_wait3A_424, %dma_wait3A_425] : memref<256x32xf32, #tpu.memory_space<vmem>> -> memref<16x32xf32, #tpu.memory_space<vmem>>
    %dma_wait3A_427 = arith.constant 0 : i32
    %dma_wait3A_428 = arith.constant 0 : i32
    %dma_wait3A_429 = tpu.memref_slice %arg4[%dma_wait3A_427, %dma_wait3A_428] : memref<1000000x32xf32, #tpu.memory_space<hbm>> -> memref<1000000x32xf32, #tpu.memory_space<hbm>>
    tpu.wait_indirect_dma semaphore(%arg12 : memref<!tpu.dma_semaphore, #tpu.memory_space<semaphore_mem>>) src(%dma_wait3A_429 : memref<1000000x32xf32, #tpu.memory_space<hbm>>) dst(%dma_wait3A_426 : memref<16x32xf32, #tpu.memory_space<vmem>>)
    %dma_wait3A_430 = arith.constant 96 : i32
    %dma_wait3A_431 = arith.constant 0 : i32
    %dma_wait3A_432 = tpu.memref_slice %arg10[%dma_wait3A_430, %dma_wait3A_431] : memref<256x32xf32, #tpu.memory_space<vmem>> -> memref<16x32xf32, #tpu.memory_space<vmem>>
    %dma_wait3A_433 = arith.constant 0 : i32
    %dma_wait3A_434 = arith.constant 0 : i32
    %dma_wait3A_435 = tpu.memref_slice %arg5[%dma_wait3A_433, %dma_wait3A_434] : memref<1000000x32xf32, #tpu.memory_space<hbm>> -> memref<1000000x32xf32, #tpu.memory_space<hbm>>
    tpu.wait_indirect_dma semaphore(%arg12 : memref<!tpu.dma_semaphore, #tpu.memory_space<semaphore_mem>>) src(%dma_wait3A_435 : memref<1000000x32xf32, #tpu.memory_space<hbm>>) dst(%dma_wait3A_432 : memref<16x32xf32, #tpu.memory_space<vmem>>)
    %dma_wait3A_436 = arith.constant 112 : i32
    %dma_wait3A_437 = arith.constant 0 : i32
    %dma_wait3A_438 = tpu.memref_slice %arg9[%dma_wait3A_436, %dma_wait3A_437] : memref<256x32xf32, #tpu.memory_space<vmem>> -> memref<16x32xf32, #tpu.memory_space<vmem>>
    %dma_wait3A_439 = arith.constant 0 : i32
    %dma_wait3A_440 = arith.constant 0 : i32
    %dma_wait3A_441 = tpu.memref_slice %arg4[%dma_wait3A_439, %dma_wait3A_440] : memref<1000000x32xf32, #tpu.memory_space<hbm>> -> memref<1000000x32xf32, #tpu.memory_space<hbm>>
    tpu.wait_indirect_dma semaphore(%arg12 : memref<!tpu.dma_semaphore, #tpu.memory_space<semaphore_mem>>) src(%dma_wait3A_441 : memref<1000000x32xf32, #tpu.memory_space<hbm>>) dst(%dma_wait3A_438 : memref<16x32xf32, #tpu.memory_space<vmem>>)
    %dma_wait3A_442 = arith.constant 112 : i32
    %dma_wait3A_443 = arith.constant 0 : i32
    %dma_wait3A_444 = tpu.memref_slice %arg10[%dma_wait3A_442, %dma_wait3A_443] : memref<256x32xf32, #tpu.memory_space<vmem>> -> memref<16x32xf32, #tpu.memory_space<vmem>>
    %dma_wait3A_445 = arith.constant 0 : i32
    %dma_wait3A_446 = arith.constant 0 : i32
    %dma_wait3A_447 = tpu.memref_slice %arg5[%dma_wait3A_445, %dma_wait3A_446] : memref<1000000x32xf32, #tpu.memory_space<hbm>> -> memref<1000000x32xf32, #tpu.memory_space<hbm>>
    tpu.wait_indirect_dma semaphore(%arg12 : memref<!tpu.dma_semaphore, #tpu.memory_space<semaphore_mem>>) src(%dma_wait3A_447 : memref<1000000x32xf32, #tpu.memory_space<hbm>>) dst(%dma_wait3A_444 : memref<16x32xf32, #tpu.memory_space<vmem>>)
    %dma_wait3A_448 = arith.constant 128 : i32
    %dma_wait3A_449 = arith.constant 0 : i32
    %dma_wait3A_450 = tpu.memref_slice %arg9[%dma_wait3A_448, %dma_wait3A_449] : memref<256x32xf32, #tpu.memory_space<vmem>> -> memref<16x32xf32, #tpu.memory_space<vmem>>
    %dma_wait3A_451 = arith.constant 0 : i32
    %dma_wait3A_452 = arith.constant 0 : i32
    %dma_wait3A_453 = tpu.memref_slice %arg4[%dma_wait3A_451, %dma_wait3A_452] : memref<1000000x32xf32, #tpu.memory_space<hbm>> -> memref<1000000x32xf32, #tpu.memory_space<hbm>>
    tpu.wait_indirect_dma semaphore(%arg12 : memref<!tpu.dma_semaphore, #tpu.memory_space<semaphore_mem>>) src(%dma_wait3A_453 : memref<1000000x32xf32, #tpu.memory_space<hbm>>) dst(%dma_wait3A_450 : memref<16x32xf32, #tpu.memory_space<vmem>>)
    %dma_wait3A_454 = arith.constant 128 : i32
    %dma_wait3A_455 = arith.constant 0 : i32
    %dma_wait3A_456 = tpu.memref_slice %arg10[%dma_wait3A_454, %dma_wait3A_455] : memref<256x32xf32, #tpu.memory_space<vmem>> -> memref<16x32xf32, #tpu.memory_space<vmem>>
    %dma_wait3A_457 = arith.constant 0 : i32
    %dma_wait3A_458 = arith.constant 0 : i32
    %dma_wait3A_459 = tpu.memref_slice %arg5[%dma_wait3A_457, %dma_wait3A_458] : memref<1000000x32xf32, #tpu.memory_space<hbm>> -> memref<1000000x32xf32, #tpu.memory_space<hbm>>
    tpu.wait_indirect_dma semaphore(%arg12 : memref<!tpu.dma_semaphore, #tpu.memory_space<semaphore_mem>>) src(%dma_wait3A_459 : memref<1000000x32xf32, #tpu.memory_space<hbm>>) dst(%dma_wait3A_456 : memref<16x32xf32, #tpu.memory_space<vmem>>)
    %dma_wait3A_460 = arith.constant 144 : i32
    %dma_wait3A_461 = arith.constant 0 : i32
    %dma_wait3A_462 = tpu.memref_slice %arg9[%dma_wait3A_460, %dma_wait3A_461] : memref<256x32xf32, #tpu.memory_space<vmem>> -> memref<16x32xf32, #tpu.memory_space<vmem>>
    %dma_wait3A_463 = arith.constant 0 : i32
    %dma_wait3A_464 = arith.constant 0 : i32
    %dma_wait3A_465 = tpu.memref_slice %arg4[%dma_wait3A_463, %dma_wait3A_464] : memref<1000000x32xf32, #tpu.memory_space<hbm>> -> memref<1000000x32xf32, #tpu.memory_space<hbm>>
    tpu.wait_indirect_dma semaphore(%arg12 : memref<!tpu.dma_semaphore, #tpu.memory_space<semaphore_mem>>) src(%dma_wait3A_465 : memref<1000000x32xf32, #tpu.memory_space<hbm>>) dst(%dma_wait3A_462 : memref<16x32xf32, #tpu.memory_space<vmem>>)
    %dma_wait3A_466 = arith.constant 144 : i32
    %dma_wait3A_467 = arith.constant 0 : i32
    %dma_wait3A_468 = tpu.memref_slice %arg10[%dma_wait3A_466, %dma_wait3A_467] : memref<256x32xf32, #tpu.memory_space<vmem>> -> memref<16x32xf32, #tpu.memory_space<vmem>>
    %dma_wait3A_469 = arith.constant 0 : i32
    %dma_wait3A_470 = arith.constant 0 : i32
    %dma_wait3A_471 = tpu.memref_slice %arg5[%dma_wait3A_469, %dma_wait3A_470] : memref<1000000x32xf32, #tpu.memory_space<hbm>> -> memref<1000000x32xf32, #tpu.memory_space<hbm>>
    tpu.wait_indirect_dma semaphore(%arg12 : memref<!tpu.dma_semaphore, #tpu.memory_space<semaphore_mem>>) src(%dma_wait3A_471 : memref<1000000x32xf32, #tpu.memory_space<hbm>>) dst(%dma_wait3A_468 : memref<16x32xf32, #tpu.memory_space<vmem>>)
    %dma_wait3A_472 = arith.constant 160 : i32
    %dma_wait3A_473 = arith.constant 0 : i32
    %dma_wait3A_474 = tpu.memref_slice %arg9[%dma_wait3A_472, %dma_wait3A_473] : memref<256x32xf32, #tpu.memory_space<vmem>> -> memref<16x32xf32, #tpu.memory_space<vmem>>
    %dma_wait3A_475 = arith.constant 0 : i32
    %dma_wait3A_476 = arith.constant 0 : i32
    %dma_wait3A_477 = tpu.memref_slice %arg4[%dma_wait3A_475, %dma_wait3A_476] : memref<1000000x32xf32, #tpu.memory_space<hbm>> -> memref<1000000x32xf32, #tpu.memory_space<hbm>>
    tpu.wait_indirect_dma semaphore(%arg12 : memref<!tpu.dma_semaphore, #tpu.memory_space<semaphore_mem>>) src(%dma_wait3A_477 : memref<1000000x32xf32, #tpu.memory_space<hbm>>) dst(%dma_wait3A_474 : memref<16x32xf32, #tpu.memory_space<vmem>>)
    %dma_wait3A_478 = arith.constant 160 : i32
    %dma_wait3A_479 = arith.constant 0 : i32
    %dma_wait3A_480 = tpu.memref_slice %arg10[%dma_wait3A_478, %dma_wait3A_479] : memref<256x32xf32, #tpu.memory_space<vmem>> -> memref<16x32xf32, #tpu.memory_space<vmem>>
    %dma_wait3A_481 = arith.constant 0 : i32
    %dma_wait3A_482 = arith.constant 0 : i32
    %dma_wait3A_483 = tpu.memref_slice %arg5[%dma_wait3A_481, %dma_wait3A_482] : memref<1000000x32xf32, #tpu.memory_space<hbm>> -> memref<1000000x32xf32, #tpu.memory_space<hbm>>
    tpu.wait_indirect_dma semaphore(%arg12 : memref<!tpu.dma_semaphore, #tpu.memory_space<semaphore_mem>>) src(%dma_wait3A_483 : memref<1000000x32xf32, #tpu.memory_space<hbm>>) dst(%dma_wait3A_480 : memref<16x32xf32, #tpu.memory_space<vmem>>)
    %dma_wait3A_484 = arith.constant 176 : i32
    %dma_wait3A_485 = arith.constant 0 : i32
    %dma_wait3A_486 = tpu.memref_slice %arg9[%dma_wait3A_484, %dma_wait3A_485] : memref<256x32xf32, #tpu.memory_space<vmem>> -> memref<16x32xf32, #tpu.memory_space<vmem>>
    %dma_wait3A_487 = arith.constant 0 : i32
    %dma_wait3A_488 = arith.constant 0 : i32
    %dma_wait3A_489 = tpu.memref_slice %arg4[%dma_wait3A_487, %dma_wait3A_488] : memref<1000000x32xf32, #tpu.memory_space<hbm>> -> memref<1000000x32xf32, #tpu.memory_space<hbm>>
    tpu.wait_indirect_dma semaphore(%arg12 : memref<!tpu.dma_semaphore, #tpu.memory_space<semaphore_mem>>) src(%dma_wait3A_489 : memref<1000000x32xf32, #tpu.memory_space<hbm>>) dst(%dma_wait3A_486 : memref<16x32xf32, #tpu.memory_space<vmem>>)
    %dma_wait3A_490 = arith.constant 176 : i32
    %dma_wait3A_491 = arith.constant 0 : i32
    %dma_wait3A_492 = tpu.memref_slice %arg10[%dma_wait3A_490, %dma_wait3A_491] : memref<256x32xf32, #tpu.memory_space<vmem>> -> memref<16x32xf32, #tpu.memory_space<vmem>>
    %dma_wait3A_493 = arith.constant 0 : i32
    %dma_wait3A_494 = arith.constant 0 : i32
    %dma_wait3A_495 = tpu.memref_slice %arg5[%dma_wait3A_493, %dma_wait3A_494] : memref<1000000x32xf32, #tpu.memory_space<hbm>> -> memref<1000000x32xf32, #tpu.memory_space<hbm>>
    tpu.wait_indirect_dma semaphore(%arg12 : memref<!tpu.dma_semaphore, #tpu.memory_space<semaphore_mem>>) src(%dma_wait3A_495 : memref<1000000x32xf32, #tpu.memory_space<hbm>>) dst(%dma_wait3A_492 : memref<16x32xf32, #tpu.memory_space<vmem>>)
    %dma_wait3A_496 = arith.constant 192 : i32
    %dma_wait3A_497 = arith.constant 0 : i32
    %dma_wait3A_498 = tpu.memref_slice %arg9[%dma_wait3A_496, %dma_wait3A_497] : memref<256x32xf32, #tpu.memory_space<vmem>> -> memref<16x32xf32, #tpu.memory_space<vmem>>
    %dma_wait3A_499 = arith.constant 0 : i32
    %dma_wait3A_500 = arith.constant 0 : i32
    %dma_wait3A_501 = tpu.memref_slice %arg4[%dma_wait3A_499, %dma_wait3A_500] : memref<1000000x32xf32, #tpu.memory_space<hbm>> -> memref<1000000x32xf32, #tpu.memory_space<hbm>>
    tpu.wait_indirect_dma semaphore(%arg12 : memref<!tpu.dma_semaphore, #tpu.memory_space<semaphore_mem>>) src(%dma_wait3A_501 : memref<1000000x32xf32, #tpu.memory_space<hbm>>) dst(%dma_wait3A_498 : memref<16x32xf32, #tpu.memory_space<vmem>>)
    %dma_wait3A_502 = arith.constant 192 : i32
    %dma_wait3A_503 = arith.constant 0 : i32
    %dma_wait3A_504 = tpu.memref_slice %arg10[%dma_wait3A_502, %dma_wait3A_503] : memref<256x32xf32, #tpu.memory_space<vmem>> -> memref<16x32xf32, #tpu.memory_space<vmem>>
    %dma_wait3A_505 = arith.constant 0 : i32
    %dma_wait3A_506 = arith.constant 0 : i32
    %dma_wait3A_507 = tpu.memref_slice %arg5[%dma_wait3A_505, %dma_wait3A_506] : memref<1000000x32xf32, #tpu.memory_space<hbm>> -> memref<1000000x32xf32, #tpu.memory_space<hbm>>
    tpu.wait_indirect_dma semaphore(%arg12 : memref<!tpu.dma_semaphore, #tpu.memory_space<semaphore_mem>>) src(%dma_wait3A_507 : memref<1000000x32xf32, #tpu.memory_space<hbm>>) dst(%dma_wait3A_504 : memref<16x32xf32, #tpu.memory_space<vmem>>)
    %dma_wait3A_508 = arith.constant 208 : i32
    %dma_wait3A_509 = arith.constant 0 : i32
    %dma_wait3A_510 = tpu.memref_slice %arg9[%dma_wait3A_508, %dma_wait3A_509] : memref<256x32xf32, #tpu.memory_space<vmem>> -> memref<16x32xf32, #tpu.memory_space<vmem>>
    %dma_wait3A_511 = arith.constant 0 : i32
    %dma_wait3A_512 = arith.constant 0 : i32
    %dma_wait3A_513 = tpu.memref_slice %arg4[%dma_wait3A_511, %dma_wait3A_512] : memref<1000000x32xf32, #tpu.memory_space<hbm>> -> memref<1000000x32xf32, #tpu.memory_space<hbm>>
    tpu.wait_indirect_dma semaphore(%arg12 : memref<!tpu.dma_semaphore, #tpu.memory_space<semaphore_mem>>) src(%dma_wait3A_513 : memref<1000000x32xf32, #tpu.memory_space<hbm>>) dst(%dma_wait3A_510 : memref<16x32xf32, #tpu.memory_space<vmem>>)
    %dma_wait3A_514 = arith.constant 208 : i32
    %dma_wait3A_515 = arith.constant 0 : i32
    %dma_wait3A_516 = tpu.memref_slice %arg10[%dma_wait3A_514, %dma_wait3A_515] : memref<256x32xf32, #tpu.memory_space<vmem>> -> memref<16x32xf32, #tpu.memory_space<vmem>>
    %dma_wait3A_517 = arith.constant 0 : i32
    %dma_wait3A_518 = arith.constant 0 : i32
    %dma_wait3A_519 = tpu.memref_slice %arg5[%dma_wait3A_517, %dma_wait3A_518] : memref<1000000x32xf32, #tpu.memory_space<hbm>> -> memref<1000000x32xf32, #tpu.memory_space<hbm>>
    tpu.wait_indirect_dma semaphore(%arg12 : memref<!tpu.dma_semaphore, #tpu.memory_space<semaphore_mem>>) src(%dma_wait3A_519 : memref<1000000x32xf32, #tpu.memory_space<hbm>>) dst(%dma_wait3A_516 : memref<16x32xf32, #tpu.memory_space<vmem>>)
    %dma_wait3A_520 = arith.constant 224 : i32
    %dma_wait3A_521 = arith.constant 0 : i32
    %dma_wait3A_522 = tpu.memref_slice %arg9[%dma_wait3A_520, %dma_wait3A_521] : memref<256x32xf32, #tpu.memory_space<vmem>> -> memref<16x32xf32, #tpu.memory_space<vmem>>
    %dma_wait3A_523 = arith.constant 0 : i32
    %dma_wait3A_524 = arith.constant 0 : i32
    %dma_wait3A_525 = tpu.memref_slice %arg4[%dma_wait3A_523, %dma_wait3A_524] : memref<1000000x32xf32, #tpu.memory_space<hbm>> -> memref<1000000x32xf32, #tpu.memory_space<hbm>>
    tpu.wait_indirect_dma semaphore(%arg12 : memref<!tpu.dma_semaphore, #tpu.memory_space<semaphore_mem>>) src(%dma_wait3A_525 : memref<1000000x32xf32, #tpu.memory_space<hbm>>) dst(%dma_wait3A_522 : memref<16x32xf32, #tpu.memory_space<vmem>>)
    %dma_wait3A_526 = arith.constant 224 : i32
    %dma_wait3A_527 = arith.constant 0 : i32
    %dma_wait3A_528 = tpu.memref_slice %arg10[%dma_wait3A_526, %dma_wait3A_527] : memref<256x32xf32, #tpu.memory_space<vmem>> -> memref<16x32xf32, #tpu.memory_space<vmem>>
    %dma_wait3A_529 = arith.constant 0 : i32
    %dma_wait3A_530 = arith.constant 0 : i32
    %dma_wait3A_531 = tpu.memref_slice %arg5[%dma_wait3A_529, %dma_wait3A_530] : memref<1000000x32xf32, #tpu.memory_space<hbm>> -> memref<1000000x32xf32, #tpu.memory_space<hbm>>
    tpu.wait_indirect_dma semaphore(%arg12 : memref<!tpu.dma_semaphore, #tpu.memory_space<semaphore_mem>>) src(%dma_wait3A_531 : memref<1000000x32xf32, #tpu.memory_space<hbm>>) dst(%dma_wait3A_528 : memref<16x32xf32, #tpu.memory_space<vmem>>)
    %dma_wait3A_532 = arith.constant 240 : i32
    %dma_wait3A_533 = arith.constant 0 : i32
    %dma_wait3A_534 = tpu.memref_slice %arg9[%dma_wait3A_532, %dma_wait3A_533] : memref<256x32xf32, #tpu.memory_space<vmem>> -> memref<16x32xf32, #tpu.memory_space<vmem>>
    %dma_wait3A_535 = arith.constant 0 : i32
    %dma_wait3A_536 = arith.constant 0 : i32
    %dma_wait3A_537 = tpu.memref_slice %arg4[%dma_wait3A_535, %dma_wait3A_536] : memref<1000000x32xf32, #tpu.memory_space<hbm>> -> memref<1000000x32xf32, #tpu.memory_space<hbm>>
    tpu.wait_indirect_dma semaphore(%arg12 : memref<!tpu.dma_semaphore, #tpu.memory_space<semaphore_mem>>) src(%dma_wait3A_537 : memref<1000000x32xf32, #tpu.memory_space<hbm>>) dst(%dma_wait3A_534 : memref<16x32xf32, #tpu.memory_space<vmem>>)
    %dma_wait3A_538 = arith.constant 240 : i32
    %dma_wait3A_539 = arith.constant 0 : i32
    %dma_wait3A_540 = tpu.memref_slice %arg10[%dma_wait3A_538, %dma_wait3A_539] : memref<256x32xf32, #tpu.memory_space<vmem>> -> memref<16x32xf32, #tpu.memory_space<vmem>>
    %dma_wait3A_541 = arith.constant 0 : i32
    %dma_wait3A_542 = arith.constant 0 : i32
    %dma_wait3A_543 = tpu.memref_slice %arg5[%dma_wait3A_541, %dma_wait3A_542] : memref<1000000x32xf32, #tpu.memory_space<hbm>> -> memref<1000000x32xf32, #tpu.memory_space<hbm>>
    tpu.wait_indirect_dma semaphore(%arg12 : memref<!tpu.dma_semaphore, #tpu.memory_space<semaphore_mem>>) src(%dma_wait3A_543 : memref<1000000x32xf32, #tpu.memory_space<hbm>>) dst(%dma_wait3A_540 : memref<16x32xf32, #tpu.memory_space<vmem>>)
    %scan3A = arith.constant 0 : i32
    %scan3A_544 = arith.constant 256 : i32
    %scan3A_545 = arith.addi %scan3A, %scan3A_544 : i32
    %scan3A_546 = arith.constant 1 : i32
    scf.for %scan3A_1101 = %scan3A to %scan3A_545 step %scan3A_546  : i32 {
      %mul3A_1102 = arith.constant 1 : i32
      %mul3A_1103 = arith.muli %scan3A_1101, %mul3A_1102 : i32
      %add3A_1104 = arith.constant 0 : i32
      %add3A_1105 = arith.addi %add3A_1104, %mul3A_1103 : i32
      %get3A_1106 = arith.index_cast %add3A_1105 : i32 to index
      %get3A_1107 = arith.constant 0 : index
      %get3A_1108 = tpu.vector_load %arg9[%get3A_1106, %get3A_1107] {strides = array<i32>} : memref<256x32xf32, #tpu.memory_space<vmem>>, vector<1x16xf32>,
      %get3A_1109 = vector.shape_cast %get3A_1108 : vector<1x16xf32> to vector<16xf32>
      %swap3A = arith.index_cast %add3A_1105 : i32 to index
      %swap3A_1110 = arith.constant 0 : index
      %swap3A_1111 = tpu.vector_load %arg11[%swap3A, %swap3A_1110] {strides = array<i32>} : memref<256x64xf32, #tpu.memory_space<vmem>>, vector<1x16xf32>,
      %swap3A_1112 = vector.shape_cast %swap3A_1111 : vector<1x16xf32> to vector<16xf32>
      %swap3A_1113 = vector.shape_cast %get3A_1109 : vector<16xf32> to vector<1x16xf32>
      tpu.vector_store %arg11[%swap3A, %swap3A_1110], %swap3A_1113 {strides = array<i32>} : memref<256x64xf32, #tpu.memory_space<vmem>>, vector<1x16xf32>,
      %get3A_1114 = arith.index_cast %add3A_1105 : i32 to index
      %get3A_1115 = arith.constant 16 : index
      %get3A_1116 = tpu.vector_load %arg9[%get3A_1114, %get3A_1115] {strides = array<i32>} : memref<256x32xf32, #tpu.memory_space<vmem>>, vector<1x16xf32>,
      %get3A_1117 = vector.shape_cast %get3A_1116 : vector<1x16xf32> to vector<16xf32>
      %swap3A_1118 = arith.index_cast %add3A_1105 : i32 to index
      %swap3A_1119 = arith.constant 16 : index
      %swap3A_1120 = tpu.vector_load %arg11[%swap3A_1118, %swap3A_1119] {strides = array<i32>} : memref<256x64xf32, #tpu.memory_space<vmem>>, vector<1x16xf32>,
      %swap3A_1121 = vector.shape_cast %swap3A_1120 : vector<1x16xf32> to vector<16xf32>
      %swap3A_1122 = vector.shape_cast %get3A_1117 : vector<16xf32> to vector<1x16xf32>
      tpu.vector_store %arg11[%swap3A_1118, %swap3A_1119], %swap3A_1122 {strides = array<i32>} : memref<256x64xf32, #tpu.memory_space<vmem>>, vector<1x16xf32>,
      %get3A_1123 = arith.index_cast %add3A_1105 : i32 to index
      %get3A_1124 = arith.constant 0 : index
      %get3A_1125 = tpu.vector_load %arg10[%get3A_1123, %get3A_1124] {strides = array<i32>} : memref<256x32xf32, #tpu.memory_space<vmem>>, vector<1x16xf32>,
      %get3A_1126 = vector.shape_cast %get3A_1125 : vector<1x16xf32> to vector<16xf32>
      %swap3A_1127 = arith.index_cast %add3A_1105 : i32 to index
      %swap3A_1128 = arith.constant 32 : index
      %swap3A_1129 = tpu.vector_load %arg11[%swap3A_1127, %swap3A_1128] {strides = array<i32>} : memref<256x64xf32, #tpu.memory_space<vmem>>, vector<1x16xf32>,
      %swap3A_1130 = vector.shape_cast %swap3A_1129 : vector<1x16xf32> to vector<16xf32>
      %swap3A_1131 = vector.shape_cast %get3A_1126 : vector<16xf32> to vector<1x16xf32>
      tpu.vector_store %arg11[%swap3A_1127, %swap3A_1128], %swap3A_1131 {strides = array<i32>} : memref<256x64xf32, #tpu.memory_space<vmem>>, vector<1x16xf32>,
      %get3A_1132 = arith.index_cast %add3A_1105 : i32 to index
      %get3A_1133 = arith.constant 16 : index
      %get3A_1134 = tpu.vector_load %arg10[%get3A_1132, %get3A_1133] {strides = array<i32>} : memref<256x32xf32, #tpu.memory_space<vmem>>, vector<1x16xf32>,
      %get3A_1135 = vector.shape_cast %get3A_1134 : vector<1x16xf32> to vector<16xf32>
      %swap3A_1136 = arith.index_cast %add3A_1105 : i32 to index
      %swap3A_1137 = arith.constant 48 : index
      %swap3A_1138 = tpu.vector_load %arg11[%swap3A_1136, %swap3A_1137] {strides = array<i32>} : memref<256x64xf32, #tpu.memory_space<vmem>>, vector<1x16xf32>,
      %swap3A_1139 = vector.shape_cast %swap3A_1138 : vector<1x16xf32> to vector<16xf32>
      %swap3A_1140 = vector.shape_cast %get3A_1135 : vector<16xf32> to vector<1x16xf32>
      tpu.vector_store %arg11[%swap3A_1136, %swap3A_1137], %swap3A_1140 {strides = array<i32>} : memref<256x64xf32, #tpu.memory_space<vmem>>, vector<1x16xf32>,
    }
    %scan3A_547 = arith.constant 256 : i32
    %add3A_548 = arith.constant 0 : i32
    %add3A_549 = arith.addi %mul3A_2, %add3A_548 : i32
    "tpu.region"() ({
      %run_scoped3A = tpu.sem_alloc : memref<!tpu.dma_semaphore, #tpu.memory_space<semaphore_mem>>
      %dma_start3A_1101 = arith.constant 0 : i32
      %dma_start3A_1102 = tpu.memref_slice %arg6[%add3A_549, %dma_start3A_1101] : memref<16384x64xf32, #tpu.memory_space<hbm>> -> memref<256x64xf32, #tpu.memory_space<hbm>>
      %dma_start3A_1103 = arith.constant 0 : i32
      %dma_start3A_1104 = tpu.memref_slice %arg6[%add3A_549, %dma_start3A_1103] : memref<16384x64xf32, #tpu.memory_space<hbm>> -> memref<256x64xf32, #tpu.memory_space<hbm>>
      tpu.enqueue_dma source(%arg11 : memref<256x64xf32, #tpu.memory_space<vmem>>) target(%dma_start3A_1104 : memref<256x64xf32, #tpu.memory_space<hbm>>) target_semaphore(%run_scoped3A : memref<!tpu.dma_semaphore, #tpu.memory_space<semaphore_mem>>)
      %dma_wait3A_1105 = arith.constant 0 : i32
      %dma_wait3A_1106 = tpu.memref_slice %arg6[%add3A_549, %dma_wait3A_1105] : memref<16384x64xf32, #tpu.memory_space<hbm>> -> memref<256x64xf32, #tpu.memory_space<hbm>>
      %dma_wait3A_1107 = arith.constant 0 : i32
      %dma_wait3A_1108 = tpu.memref_slice %arg6[%add3A_549, %dma_wait3A_1107] : memref<16384x64xf32, #tpu.memory_space<hbm>> -> memref<256x64xf32, #tpu.memory_space<hbm>>
      tpu.wait_dma2 semaphore(%run_scoped3A : memref<!tpu.dma_semaphore, #tpu.memory_space<semaphore_mem>>) src(%arg11 : memref<256x64xf32, #tpu.memory_space<vmem>>) dst(%dma_wait3A_1108 : memref<256x64xf32, #tpu.memory_space<hbm>>)
      tpu.yield
    }) : () -> ()
    %get3A_550 = arith.constant 2 : i32
    %get3A_551 = arith.index_cast %get3A_550 : i32 to index
    %get3A_552 = arith.constant 0 : index
    %get3A_553 = tpu.vector_load %arg7[%get3A_551, %get3A_552] {strides = array<i32>} : memref<4x128xi32, #tpu.memory_space<vmem>>, vector<1x16xi32>,
    %get3A_554 = vector.shape_cast %get3A_553 : vector<1x16xi32> to vector<16xi32>
    %get3A_555 = arith.constant 2 : i32
    %get3A_556 = arith.index_cast %get3A_555 : i32 to index
    %get3A_557 = arith.constant 0 : index
    %get3A_558 = tpu.vector_load %arg8[%get3A_556, %get3A_557] {strides = array<i32>} : memref<4x128xi32, #tpu.memory_space<vmem>>, vector<1x16xi32>,
    %get3A_559 = vector.shape_cast %get3A_558 : vector<1x16xi32> to vector<16xi32>
    %dma_start3A_560 = arith.constant 0 : i32
    %dma_start3A_561 = arith.constant 0 : i32
    %dma_start3A_562 = tpu.memref_slice %arg9[%dma_start3A_560, %dma_start3A_561] : memref<256x32xf32, #tpu.memory_space<vmem>> -> memref<16x32xf32, #tpu.memory_space<vmem>>
    %dma_start3A_563 = arith.constant 0 : i32
    %dma_start3A_564 = arith.constant 0 : i32
    %dma_start3A_565 = tpu.memref_slice %arg4[%dma_start3A_563, %dma_start3A_564] : memref<1000000x32xf32, #tpu.memory_space<hbm>> -> memref<1000000x32xf32, #tpu.memory_space<hbm>>
    tpu.enqueue_indirect_dma source(%dma_start3A_565 : memref<1000000x32xf32, #tpu.memory_space<hbm>>) target(%dma_start3A_562 : memref<16x32xf32, #tpu.memory_space<vmem>>) offsets(%get3A_554 : vector<16xi32>) semaphore(%arg12 : memref<!tpu.dma_semaphore, #tpu.memory_space<semaphore_mem>>)
    %dma_start3A_566 = arith.constant 0 : i32
    %dma_start3A_567 = arith.constant 0 : i32
    %dma_start3A_568 = tpu.memref_slice %arg10[%dma_start3A_566, %dma_start3A_567] : memref<256x32xf32, #tpu.memory_space<vmem>> -> memref<16x32xf32, #tpu.memory_space<vmem>>
    %dma_start3A_569 = arith.constant 0 : i32
    %dma_start3A_570 = arith.constant 0 : i32
    %dma_start3A_571 = tpu.memref_slice %arg5[%dma_start3A_569, %dma_start3A_570] : memref<1000000x32xf32, #tpu.memory_space<hbm>> -> memref<1000000x32xf32, #tpu.memory_space<hbm>>
    tpu.enqueue_indirect_dma source(%dma_start3A_571 : memref<1000000x32xf32, #tpu.memory_space<hbm>>) target(%dma_start3A_568 : memref<16x32xf32, #tpu.memory_space<vmem>>) offsets(%get3A_559 : vector<16xi32>) semaphore(%arg12 : memref<!tpu.dma_semaphore, #tpu.memory_space<semaphore_mem>>)
    %get3A_572 = arith.constant 2 : i32
    %get3A_573 = arith.index_cast %get3A_572 : i32 to index
    %get3A_574 = arith.constant 16 : index
    %get3A_575 = tpu.vector_load %arg7[%get3A_573, %get3A_574] {strides = array<i32>} : memref<4x128xi32, #tpu.memory_space<vmem>>, vector<1x16xi32>,
    %get3A_576 = vector.shape_cast %get3A_575 : vector<1x16xi32> to vector<16xi32>
    %get3A_577 = arith.constant 2 : i32
    %get3A_578 = arith.index_cast %get3A_577 : i32 to index
    %get3A_579 = arith.constant 16 : index
    %get3A_580 = tpu.vector_load %arg8[%get3A_578, %get3A_579] {strides = array<i32>} : memref<4x128xi32, #tpu.memory_space<vmem>>, vector<1x16xi32>,
    %get3A_581 = vector.shape_cast %get3A_580 : vector<1x16xi32> to vector<16xi32>
    %dma_start3A_582 = arith.constant 16 : i32
    %dma_start3A_583 = arith.constant 0 : i32
    %dma_start3A_584 = tpu.memref_slice %arg9[%dma_start3A_582, %dma_start3A_583] : memref<256x32xf32, #tpu.memory_space<vmem>> -> memref<16x32xf32, #tpu.memory_space<vmem>>
    %dma_start3A_585 = arith.constant 0 : i32
    %dma_start3A_586 = arith.constant 0 : i32
    %dma_start3A_587 = tpu.memref_slice %arg4[%dma_start3A_585, %dma_start3A_586] : memref<1000000x32xf32, #tpu.memory_space<hbm>> -> memref<1000000x32xf32, #tpu.memory_space<hbm>>
    tpu.enqueue_indirect_dma source(%dma_start3A_587 : memref<1000000x32xf32, #tpu.memory_space<hbm>>) target(%dma_start3A_584 : memref<16x32xf32, #tpu.memory_space<vmem>>) offsets(%get3A_576 : vector<16xi32>) semaphore(%arg12 : memref<!tpu.dma_semaphore, #tpu.memory_space<semaphore_mem>>)
    %dma_start3A_588 = arith.constant 16 : i32
    %dma_start3A_589 = arith.constant 0 : i32
    %dma_start3A_590 = tpu.memref_slice %arg10[%dma_start3A_588, %dma_start3A_589] : memref<256x32xf32, #tpu.memory_space<vmem>> -> memref<16x32xf32, #tpu.memory_space<vmem>>
    %dma_start3A_591 = arith.constant 0 : i32
    %dma_start3A_592 = arith.constant 0 : i32
    %dma_start3A_593 = tpu.memref_slice %arg5[%dma_start3A_591, %dma_start3A_592] : memref<1000000x32xf32, #tpu.memory_space<hbm>> -> memref<1000000x32xf32, #tpu.memory_space<hbm>>
    tpu.enqueue_indirect_dma source(%dma_start3A_593 : memref<1000000x32xf32, #tpu.memory_space<hbm>>) target(%dma_start3A_590 : memref<16x32xf32, #tpu.memory_space<vmem>>) offsets(%get3A_581 : vector<16xi32>) semaphore(%arg12 : memref<!tpu.dma_semaphore, #tpu.memory_space<semaphore_mem>>)
    %get3A_594 = arith.constant 2 : i32
    %get3A_595 = arith.index_cast %get3A_594 : i32 to index
    %get3A_596 = arith.constant 32 : index
    %get3A_597 = tpu.vector_load %arg7[%get3A_595, %get3A_596] {strides = array<i32>} : memref<4x128xi32, #tpu.memory_space<vmem>>, vector<1x16xi32>,
    %get3A_598 = vector.shape_cast %get3A_597 : vector<1x16xi32> to vector<16xi32>
    %get3A_599 = arith.constant 2 : i32
    %get3A_600 = arith.index_cast %get3A_599 : i32 to index
    %get3A_601 = arith.constant 32 : index
    %get3A_602 = tpu.vector_load %arg8[%get3A_600, %get3A_601] {strides = array<i32>} : memref<4x128xi32, #tpu.memory_space<vmem>>, vector<1x16xi32>,
    %get3A_603 = vector.shape_cast %get3A_602 : vector<1x16xi32> to vector<16xi32>
    %dma_start3A_604 = arith.constant 32 : i32
    %dma_start3A_605 = arith.constant 0 : i32
    %dma_start3A_606 = tpu.memref_slice %arg9[%dma_start3A_604, %dma_start3A_605] : memref<256x32xf32, #tpu.memory_space<vmem>> -> memref<16x32xf32, #tpu.memory_space<vmem>>
    %dma_start3A_607 = arith.constant 0 : i32
    %dma_start3A_608 = arith.constant 0 : i32
    %dma_start3A_609 = tpu.memref_slice %arg4[%dma_start3A_607, %dma_start3A_608] : memref<1000000x32xf32, #tpu.memory_space<hbm>> -> memref<1000000x32xf32, #tpu.memory_space<hbm>>
    tpu.enqueue_indirect_dma source(%dma_start3A_609 : memref<1000000x32xf32, #tpu.memory_space<hbm>>) target(%dma_start3A_606 : memref<16x32xf32, #tpu.memory_space<vmem>>) offsets(%get3A_598 : vector<16xi32>) semaphore(%arg12 : memref<!tpu.dma_semaphore, #tpu.memory_space<semaphore_mem>>)
    %dma_start3A_610 = arith.constant 32 : i32
    %dma_start3A_611 = arith.constant 0 : i32
    %dma_start3A_612 = tpu.memref_slice %arg10[%dma_start3A_610, %dma_start3A_611] : memref<256x32xf32, #tpu.memory_space<vmem>> -> memref<16x32xf32, #tpu.memory_space<vmem>>
    %dma_start3A_613 = arith.constant 0 : i32
    %dma_start3A_614 = arith.constant 0 : i32
    %dma_start3A_615 = tpu.memref_slice %arg5[%dma_start3A_613, %dma_start3A_614] : memref<1000000x32xf32, #tpu.memory_space<hbm>> -> memref<1000000x32xf32, #tpu.memory_space<hbm>>
    tpu.enqueue_indirect_dma source(%dma_start3A_615 : memref<1000000x32xf32, #tpu.memory_space<hbm>>) target(%dma_start3A_612 : memref<16x32xf32, #tpu.memory_space<vmem>>) offsets(%get3A_603 : vector<16xi32>) semaphore(%arg12 : memref<!tpu.dma_semaphore, #tpu.memory_space<semaphore_mem>>)
    %get3A_616 = arith.constant 2 : i32
    %get3A_617 = arith.index_cast %get3A_616 : i32 to index
    %get3A_618 = arith.constant 48 : index
    %get3A_619 = tpu.vector_load %arg7[%get3A_617, %get3A_618] {strides = array<i32>} : memref<4x128xi32, #tpu.memory_space<vmem>>, vector<1x16xi32>,
    %get3A_620 = vector.shape_cast %get3A_619 : vector<1x16xi32> to vector<16xi32>
    %get3A_621 = arith.constant 2 : i32
    %get3A_622 = arith.index_cast %get3A_621 : i32 to index
    %get3A_623 = arith.constant 48 : index
    %get3A_624 = tpu.vector_load %arg8[%get3A_622, %get3A_623] {strides = array<i32>} : memref<4x128xi32, #tpu.memory_space<vmem>>, vector<1x16xi32>,
    %get3A_625 = vector.shape_cast %get3A_624 : vector<1x16xi32> to vector<16xi32>
    %dma_start3A_626 = arith.constant 48 : i32
    %dma_start3A_627 = arith.constant 0 : i32
    %dma_start3A_628 = tpu.memref_slice %arg9[%dma_start3A_626, %dma_start3A_627] : memref<256x32xf32, #tpu.memory_space<vmem>> -> memref<16x32xf32, #tpu.memory_space<vmem>>
    %dma_start3A_629 = arith.constant 0 : i32
    %dma_start3A_630 = arith.constant 0 : i32
    %dma_start3A_631 = tpu.memref_slice %arg4[%dma_start3A_629, %dma_start3A_630] : memref<1000000x32xf32, #tpu.memory_space<hbm>> -> memref<1000000x32xf32, #tpu.memory_space<hbm>>
    tpu.enqueue_indirect_dma source(%dma_start3A_631 : memref<1000000x32xf32, #tpu.memory_space<hbm>>) target(%dma_start3A_628 : memref<16x32xf32, #tpu.memory_space<vmem>>) offsets(%get3A_620 : vector<16xi32>) semaphore(%arg12 : memref<!tpu.dma_semaphore, #tpu.memory_space<semaphore_mem>>)
    %dma_start3A_632 = arith.constant 48 : i32
    %dma_start3A_633 = arith.constant 0 : i32
    %dma_start3A_634 = tpu.memref_slice %arg10[%dma_start3A_632, %dma_start3A_633] : memref<256x32xf32, #tpu.memory_space<vmem>> -> memref<16x32xf32, #tpu.memory_space<vmem>>
    %dma_start3A_635 = arith.constant 0 : i32
    %dma_start3A_636 = arith.constant 0 : i32
    %dma_start3A_637 = tpu.memref_slice %arg5[%dma_start3A_635, %dma_start3A_636] : memref<1000000x32xf32, #tpu.memory_space<hbm>> -> memref<1000000x32xf32, #tpu.memory_space<hbm>>
    tpu.enqueue_indirect_dma source(%dma_start3A_637 : memref<1000000x32xf32, #tpu.memory_space<hbm>>) target(%dma_start3A_634 : memref<16x32xf32, #tpu.memory_space<vmem>>) offsets(%get3A_625 : vector<16xi32>) semaphore(%arg12 : memref<!tpu.dma_semaphore, #tpu.memory_space<semaphore_mem>>)
    %get3A_638 = arith.constant 2 : i32
    %get3A_639 = arith.index_cast %get3A_638 : i32 to index
    %get3A_640 = arith.constant 64 : index
    %get3A_641 = tpu.vector_load %arg7[%get3A_639, %get3A_640] {strides = array<i32>} : memref<4x128xi32, #tpu.memory_space<vmem>>, vector<1x16xi32>,
    %get3A_642 = vector.shape_cast %get3A_641 : vector<1x16xi32> to vector<16xi32>
    %get3A_643 = arith.constant 2 : i32
    %get3A_644 = arith.index_cast %get3A_643 : i32 to index
    %get3A_645 = arith.constant 64 : index
    %get3A_646 = tpu.vector_load %arg8[%get3A_644, %get3A_645] {strides = array<i32>} : memref<4x128xi32, #tpu.memory_space<vmem>>, vector<1x16xi32>,
    %get3A_647 = vector.shape_cast %get3A_646 : vector<1x16xi32> to vector<16xi32>
    %dma_start3A_648 = arith.constant 64 : i32
    %dma_start3A_649 = arith.constant 0 : i32
    %dma_start3A_650 = tpu.memref_slice %arg9[%dma_start3A_648, %dma_start3A_649] : memref<256x32xf32, #tpu.memory_space<vmem>> -> memref<16x32xf32, #tpu.memory_space<vmem>>
    %dma_start3A_651 = arith.constant 0 : i32
    %dma_start3A_652 = arith.constant 0 : i32
    %dma_start3A_653 = tpu.memref_slice %arg4[%dma_start3A_651, %dma_start3A_652] : memref<1000000x32xf32, #tpu.memory_space<hbm>> -> memref<1000000x32xf32, #tpu.memory_space<hbm>>
    tpu.enqueue_indirect_dma source(%dma_start3A_653 : memref<1000000x32xf32, #tpu.memory_space<hbm>>) target(%dma_start3A_650 : memref<16x32xf32, #tpu.memory_space<vmem>>) offsets(%get3A_642 : vector<16xi32>) semaphore(%arg12 : memref<!tpu.dma_semaphore, #tpu.memory_space<semaphore_mem>>)
    %dma_start3A_654 = arith.constant 64 : i32
    %dma_start3A_655 = arith.constant 0 : i32
    %dma_start3A_656 = tpu.memref_slice %arg10[%dma_start3A_654, %dma_start3A_655] : memref<256x32xf32, #tpu.memory_space<vmem>> -> memref<16x32xf32, #tpu.memory_space<vmem>>
    %dma_start3A_657 = arith.constant 0 : i32
    %dma_start3A_658 = arith.constant 0 : i32
    %dma_start3A_659 = tpu.memref_slice %arg5[%dma_start3A_657, %dma_start3A_658] : memref<1000000x32xf32, #tpu.memory_space<hbm>> -> memref<1000000x32xf32, #tpu.memory_space<hbm>>
    tpu.enqueue_indirect_dma source(%dma_start3A_659 : memref<1000000x32xf32, #tpu.memory_space<hbm>>) target(%dma_start3A_656 : memref<16x32xf32, #tpu.memory_space<vmem>>) offsets(%get3A_647 : vector<16xi32>) semaphore(%arg12 : memref<!tpu.dma_semaphore, #tpu.memory_space<semaphore_mem>>)
    %get3A_660 = arith.constant 2 : i32
    %get3A_661 = arith.index_cast %get3A_660 : i32 to index
    %get3A_662 = arith.constant 80 : index
    %get3A_663 = tpu.vector_load %arg7[%get3A_661, %get3A_662] {strides = array<i32>} : memref<4x128xi32, #tpu.memory_space<vmem>>, vector<1x16xi32>,
    %get3A_664 = vector.shape_cast %get3A_663 : vector<1x16xi32> to vector<16xi32>
    %get3A_665 = arith.constant 2 : i32
    %get3A_666 = arith.index_cast %get3A_665 : i32 to index
    %get3A_667 = arith.constant 80 : index
    %get3A_668 = tpu.vector_load %arg8[%get3A_666, %get3A_667] {strides = array<i32>} : memref<4x128xi32, #tpu.memory_space<vmem>>, vector<1x16xi32>,
    %get3A_669 = vector.shape_cast %get3A_668 : vector<1x16xi32> to vector<16xi32>
    %dma_start3A_670 = arith.constant 80 : i32
    %dma_start3A_671 = arith.constant 0 : i32
    %dma_start3A_672 = tpu.memref_slice %arg9[%dma_start3A_670, %dma_start3A_671] : memref<256x32xf32, #tpu.memory_space<vmem>> -> memref<16x32xf32, #tpu.memory_space<vmem>>
    %dma_start3A_673 = arith.constant 0 : i32
    %dma_start3A_674 = arith.constant 0 : i32
    %dma_start3A_675 = tpu.memref_slice %arg4[%dma_start3A_673, %dma_start3A_674] : memref<1000000x32xf32, #tpu.memory_space<hbm>> -> memref<1000000x32xf32, #tpu.memory_space<hbm>>
    tpu.enqueue_indirect_dma source(%dma_start3A_675 : memref<1000000x32xf32, #tpu.memory_space<hbm>>) target(%dma_start3A_672 : memref<16x32xf32, #tpu.memory_space<vmem>>) offsets(%get3A_664 : vector<16xi32>) semaphore(%arg12 : memref<!tpu.dma_semaphore, #tpu.memory_space<semaphore_mem>>)
    %dma_start3A_676 = arith.constant 80 : i32
    %dma_start3A_677 = arith.constant 0 : i32
    %dma_start3A_678 = tpu.memref_slice %arg10[%dma_start3A_676, %dma_start3A_677] : memref<256x32xf32, #tpu.memory_space<vmem>> -> memref<16x32xf32, #tpu.memory_space<vmem>>
    %dma_start3A_679 = arith.constant 0 : i32
    %dma_start3A_680 = arith.constant 0 : i32
    %dma_start3A_681 = tpu.memref_slice %arg5[%dma_start3A_679, %dma_start3A_680] : memref<1000000x32xf32, #tpu.memory_space<hbm>> -> memref<1000000x32xf32, #tpu.memory_space<hbm>>
    tpu.enqueue_indirect_dma source(%dma_start3A_681 : memref<1000000x32xf32, #tpu.memory_space<hbm>>) target(%dma_start3A_678 : memref<16x32xf32, #tpu.memory_space<vmem>>) offsets(%get3A_669 : vector<16xi32>) semaphore(%arg12 : memref<!tpu.dma_semaphore, #tpu.memory_space<semaphore_mem>>)
    %get3A_682 = arith.constant 2 : i32
    %get3A_683 = arith.index_cast %get3A_682 : i32 to index
    %get3A_684 = arith.constant 96 : index
    %get3A_685 = tpu.vector_load %arg7[%get3A_683, %get3A_684] {strides = array<i32>} : memref<4x128xi32, #tpu.memory_space<vmem>>, vector<1x16xi32>,
    %get3A_686 = vector.shape_cast %get3A_685 : vector<1x16xi32> to vector<16xi32>
    %get3A_687 = arith.constant 2 : i32
    %get3A_688 = arith.index_cast %get3A_687 : i32 to index
    %get3A_689 = arith.constant 96 : index
    %get3A_690 = tpu.vector_load %arg8[%get3A_688, %get3A_689] {strides = array<i32>} : memref<4x128xi32, #tpu.memory_space<vmem>>, vector<1x16xi32>,
    %get3A_691 = vector.shape_cast %get3A_690 : vector<1x16xi32> to vector<16xi32>
    %dma_start3A_692 = arith.constant 96 : i32
    %dma_start3A_693 = arith.constant 0 : i32
    %dma_start3A_694 = tpu.memref_slice %arg9[%dma_start3A_692, %dma_start3A_693] : memref<256x32xf32, #tpu.memory_space<vmem>> -> memref<16x32xf32, #tpu.memory_space<vmem>>
    %dma_start3A_695 = arith.constant 0 : i32
    %dma_start3A_696 = arith.constant 0 : i32
    %dma_start3A_697 = tpu.memref_slice %arg4[%dma_start3A_695, %dma_start3A_696] : memref<1000000x32xf32, #tpu.memory_space<hbm>> -> memref<1000000x32xf32, #tpu.memory_space<hbm>>
    tpu.enqueue_indirect_dma source(%dma_start3A_697 : memref<1000000x32xf32, #tpu.memory_space<hbm>>) target(%dma_start3A_694 : memref<16x32xf32, #tpu.memory_space<vmem>>) offsets(%get3A_686 : vector<16xi32>) semaphore(%arg12 : memref<!tpu.dma_semaphore, #tpu.memory_space<semaphore_mem>>)
    %dma_start3A_698 = arith.constant 96 : i32
    %dma_start3A_699 = arith.constant 0 : i32
    %dma_start3A_700 = tpu.memref_slice %arg10[%dma_start3A_698, %dma_start3A_699] : memref<256x32xf32, #tpu.memory_space<vmem>> -> memref<16x32xf32, #tpu.memory_space<vmem>>
    %dma_start3A_701 = arith.constant 0 : i32
    %dma_start3A_702 = arith.constant 0 : i32
    %dma_start3A_703 = tpu.memref_slice %arg5[%dma_start3A_701, %dma_start3A_702] : memref<1000000x32xf32, #tpu.memory_space<hbm>> -> memref<1000000x32xf32, #tpu.memory_space<hbm>>
    tpu.enqueue_indirect_dma source(%dma_start3A_703 : memref<1000000x32xf32, #tpu.memory_space<hbm>>) target(%dma_start3A_700 : memref<16x32xf32, #tpu.memory_space<vmem>>) offsets(%get3A_691 : vector<16xi32>) semaphore(%arg12 : memref<!tpu.dma_semaphore, #tpu.memory_space<semaphore_mem>>)
    %get3A_704 = arith.constant 2 : i32
    %get3A_705 = arith.index_cast %get3A_704 : i32 to index
    %get3A_706 = arith.constant 112 : index
    %get3A_707 = tpu.vector_load %arg7[%get3A_705, %get3A_706] {strides = array<i32>} : memref<4x128xi32, #tpu.memory_space<vmem>>, vector<1x16xi32>,
    %get3A_708 = vector.shape_cast %get3A_707 : vector<1x16xi32> to vector<16xi32>
    %get3A_709 = arith.constant 2 : i32
    %get3A_710 = arith.index_cast %get3A_709 : i32 to index
    %get3A_711 = arith.constant 112 : index
    %get3A_712 = tpu.vector_load %arg8[%get3A_710, %get3A_711] {strides = array<i32>} : memref<4x128xi32, #tpu.memory_space<vmem>>, vector<1x16xi32>,
    %get3A_713 = vector.shape_cast %get3A_712 : vector<1x16xi32> to vector<16xi32>
    %dma_start3A_714 = arith.constant 112 : i32
    %dma_start3A_715 = arith.constant 0 : i32
    %dma_start3A_716 = tpu.memref_slice %arg9[%dma_start3A_714, %dma_start3A_715] : memref<256x32xf32, #tpu.memory_space<vmem>> -> memref<16x32xf32, #tpu.memory_space<vmem>>
    %dma_start3A_717 = arith.constant 0 : i32
    %dma_start3A_718 = arith.constant 0 : i32
    %dma_start3A_719 = tpu.memref_slice %arg4[%dma_start3A_717, %dma_start3A_718] : memref<1000000x32xf32, #tpu.memory_space<hbm>> -> memref<1000000x32xf32, #tpu.memory_space<hbm>>
    tpu.enqueue_indirect_dma source(%dma_start3A_719 : memref<1000000x32xf32, #tpu.memory_space<hbm>>) target(%dma_start3A_716 : memref<16x32xf32, #tpu.memory_space<vmem>>) offsets(%get3A_708 : vector<16xi32>) semaphore(%arg12 : memref<!tpu.dma_semaphore, #tpu.memory_space<semaphore_mem>>)
    %dma_start3A_720 = arith.constant 112 : i32
    %dma_start3A_721 = arith.constant 0 : i32
    %dma_start3A_722 = tpu.memref_slice %arg10[%dma_start3A_720, %dma_start3A_721] : memref<256x32xf32, #tpu.memory_space<vmem>> -> memref<16x32xf32, #tpu.memory_space<vmem>>
    %dma_start3A_723 = arith.constant 0 : i32
    %dma_start3A_724 = arith.constant 0 : i32
    %dma_start3A_725 = tpu.memref_slice %arg5[%dma_start3A_723, %dma_start3A_724] : memref<1000000x32xf32, #tpu.memory_space<hbm>> -> memref<1000000x32xf32, #tpu.memory_space<hbm>>
    tpu.enqueue_indirect_dma source(%dma_start3A_725 : memref<1000000x32xf32, #tpu.memory_space<hbm>>) target(%dma_start3A_722 : memref<16x32xf32, #tpu.memory_space<vmem>>) offsets(%get3A_713 : vector<16xi32>) semaphore(%arg12 : memref<!tpu.dma_semaphore, #tpu.memory_space<semaphore_mem>>)
    %get3A_726 = arith.constant 3 : i32
    %get3A_727 = arith.index_cast %get3A_726 : i32 to index
    %get3A_728 = arith.constant 0 : index
    %get3A_729 = tpu.vector_load %arg7[%get3A_727, %get3A_728] {strides = array<i32>} : memref<4x128xi32, #tpu.memory_space<vmem>>, vector<1x16xi32>,
    %get3A_730 = vector.shape_cast %get3A_729 : vector<1x16xi32> to vector<16xi32>
    %get3A_731 = arith.constant 3 : i32
    %get3A_732 = arith.index_cast %get3A_731 : i32 to index
    %get3A_733 = arith.constant 0 : index
    %get3A_734 = tpu.vector_load %arg8[%get3A_732, %get3A_733] {strides = array<i32>} : memref<4x128xi32, #tpu.memory_space<vmem>>, vector<1x16xi32>,
    %get3A_735 = vector.shape_cast %get3A_734 : vector<1x16xi32> to vector<16xi32>
    %dma_start3A_736 = arith.constant 128 : i32
    %dma_start3A_737 = arith.constant 0 : i32
    %dma_start3A_738 = tpu.memref_slice %arg9[%dma_start3A_736, %dma_start3A_737] : memref<256x32xf32, #tpu.memory_space<vmem>> -> memref<16x32xf32, #tpu.memory_space<vmem>>
    %dma_start3A_739 = arith.constant 0 : i32
    %dma_start3A_740 = arith.constant 0 : i32
    %dma_start3A_741 = tpu.memref_slice %arg4[%dma_start3A_739, %dma_start3A_740] : memref<1000000x32xf32, #tpu.memory_space<hbm>> -> memref<1000000x32xf32, #tpu.memory_space<hbm>>
    tpu.enqueue_indirect_dma source(%dma_start3A_741 : memref<1000000x32xf32, #tpu.memory_space<hbm>>) target(%dma_start3A_738 : memref<16x32xf32, #tpu.memory_space<vmem>>) offsets(%get3A_730 : vector<16xi32>) semaphore(%arg12 : memref<!tpu.dma_semaphore, #tpu.memory_space<semaphore_mem>>)
    %dma_start3A_742 = arith.constant 128 : i32
    %dma_start3A_743 = arith.constant 0 : i32
    %dma_start3A_744 = tpu.memref_slice %arg10[%dma_start3A_742, %dma_start3A_743] : memref<256x32xf32, #tpu.memory_space<vmem>> -> memref<16x32xf32, #tpu.memory_space<vmem>>
    %dma_start3A_745 = arith.constant 0 : i32
    %dma_start3A_746 = arith.constant 0 : i32
    %dma_start3A_747 = tpu.memref_slice %arg5[%dma_start3A_745, %dma_start3A_746] : memref<1000000x32xf32, #tpu.memory_space<hbm>> -> memref<1000000x32xf32, #tpu.memory_space<hbm>>
    tpu.enqueue_indirect_dma source(%dma_start3A_747 : memref<1000000x32xf32, #tpu.memory_space<hbm>>) target(%dma_start3A_744 : memref<16x32xf32, #tpu.memory_space<vmem>>) offsets(%get3A_735 : vector<16xi32>) semaphore(%arg12 : memref<!tpu.dma_semaphore, #tpu.memory_space<semaphore_mem>>)
    %get3A_748 = arith.constant 3 : i32
    %get3A_749 = arith.index_cast %get3A_748 : i32 to index
    %get3A_750 = arith.constant 16 : index
    %get3A_751 = tpu.vector_load %arg7[%get3A_749, %get3A_750] {strides = array<i32>} : memref<4x128xi32, #tpu.memory_space<vmem>>, vector<1x16xi32>,
    %get3A_752 = vector.shape_cast %get3A_751 : vector<1x16xi32> to vector<16xi32>
    %get3A_753 = arith.constant 3 : i32
    %get3A_754 = arith.index_cast %get3A_753 : i32 to index
    %get3A_755 = arith.constant 16 : index
    %get3A_756 = tpu.vector_load %arg8[%get3A_754, %get3A_755] {strides = array<i32>} : memref<4x128xi32, #tpu.memory_space<vmem>>, vector<1x16xi32>,
    %get3A_757 = vector.shape_cast %get3A_756 : vector<1x16xi32> to vector<16xi32>
    %dma_start3A_758 = arith.constant 144 : i32
    %dma_start3A_759 = arith.constant 0 : i32
    %dma_start3A_760 = tpu.memref_slice %arg9[%dma_start3A_758, %dma_start3A_759] : memref<256x32xf32, #tpu.memory_space<vmem>> -> memref<16x32xf32, #tpu.memory_space<vmem>>
    %dma_start3A_761 = arith.constant 0 : i32
    %dma_start3A_762 = arith.constant 0 : i32
    %dma_start3A_763 = tpu.memref_slice %arg4[%dma_start3A_761, %dma_start3A_762] : memref<1000000x32xf32, #tpu.memory_space<hbm>> -> memref<1000000x32xf32, #tpu.memory_space<hbm>>
    tpu.enqueue_indirect_dma source(%dma_start3A_763 : memref<1000000x32xf32, #tpu.memory_space<hbm>>) target(%dma_start3A_760 : memref<16x32xf32, #tpu.memory_space<vmem>>) offsets(%get3A_752 : vector<16xi32>) semaphore(%arg12 : memref<!tpu.dma_semaphore, #tpu.memory_space<semaphore_mem>>)
    %dma_start3A_764 = arith.constant 144 : i32
    %dma_start3A_765 = arith.constant 0 : i32
    %dma_start3A_766 = tpu.memref_slice %arg10[%dma_start3A_764, %dma_start3A_765] : memref<256x32xf32, #tpu.memory_space<vmem>> -> memref<16x32xf32, #tpu.memory_space<vmem>>
    %dma_start3A_767 = arith.constant 0 : i32
    %dma_start3A_768 = arith.constant 0 : i32
    %dma_start3A_769 = tpu.memref_slice %arg5[%dma_start3A_767, %dma_start3A_768] : memref<1000000x32xf32, #tpu.memory_space<hbm>> -> memref<1000000x32xf32, #tpu.memory_space<hbm>>
    tpu.enqueue_indirect_dma source(%dma_start3A_769 : memref<1000000x32xf32, #tpu.memory_space<hbm>>) target(%dma_start3A_766 : memref<16x32xf32, #tpu.memory_space<vmem>>) offsets(%get3A_757 : vector<16xi32>) semaphore(%arg12 : memref<!tpu.dma_semaphore, #tpu.memory_space<semaphore_mem>>)
    %get3A_770 = arith.constant 3 : i32
    %get3A_771 = arith.index_cast %get3A_770 : i32 to index
    %get3A_772 = arith.constant 32 : index
    %get3A_773 = tpu.vector_load %arg7[%get3A_771, %get3A_772] {strides = array<i32>} : memref<4x128xi32, #tpu.memory_space<vmem>>, vector<1x16xi32>,
    %get3A_774 = vector.shape_cast %get3A_773 : vector<1x16xi32> to vector<16xi32>
    %get3A_775 = arith.constant 3 : i32
    %get3A_776 = arith.index_cast %get3A_775 : i32 to index
    %get3A_777 = arith.constant 32 : index
    %get3A_778 = tpu.vector_load %arg8[%get3A_776, %get3A_777] {strides = array<i32>} : memref<4x128xi32, #tpu.memory_space<vmem>>, vector<1x16xi32>,
    %get3A_779 = vector.shape_cast %get3A_778 : vector<1x16xi32> to vector<16xi32>
    %dma_start3A_780 = arith.constant 160 : i32
    %dma_start3A_781 = arith.constant 0 : i32
    %dma_start3A_782 = tpu.memref_slice %arg9[%dma_start3A_780, %dma_start3A_781] : memref<256x32xf32, #tpu.memory_space<vmem>> -> memref<16x32xf32, #tpu.memory_space<vmem>>
    %dma_start3A_783 = arith.constant 0 : i32
    %dma_start3A_784 = arith.constant 0 : i32
    %dma_start3A_785 = tpu.memref_slice %arg4[%dma_start3A_783, %dma_start3A_784] : memref<1000000x32xf32, #tpu.memory_space<hbm>> -> memref<1000000x32xf32, #tpu.memory_space<hbm>>
    tpu.enqueue_indirect_dma source(%dma_start3A_785 : memref<1000000x32xf32, #tpu.memory_space<hbm>>) target(%dma_start3A_782 : memref<16x32xf32, #tpu.memory_space<vmem>>) offsets(%get3A_774 : vector<16xi32>) semaphore(%arg12 : memref<!tpu.dma_semaphore, #tpu.memory_space<semaphore_mem>>)
    %dma_start3A_786 = arith.constant 160 : i32
    %dma_start3A_787 = arith.constant 0 : i32
    %dma_start3A_788 = tpu.memref_slice %arg10[%dma_start3A_786, %dma_start3A_787] : memref<256x32xf32, #tpu.memory_space<vmem>> -> memref<16x32xf32, #tpu.memory_space<vmem>>
    %dma_start3A_789 = arith.constant 0 : i32
    %dma_start3A_790 = arith.constant 0 : i32
    %dma_start3A_791 = tpu.memref_slice %arg5[%dma_start3A_789, %dma_start3A_790] : memref<1000000x32xf32, #tpu.memory_space<hbm>> -> memref<1000000x32xf32, #tpu.memory_space<hbm>>
    tpu.enqueue_indirect_dma source(%dma_start3A_791 : memref<1000000x32xf32, #tpu.memory_space<hbm>>) target(%dma_start3A_788 : memref<16x32xf32, #tpu.memory_space<vmem>>) offsets(%get3A_779 : vector<16xi32>) semaphore(%arg12 : memref<!tpu.dma_semaphore, #tpu.memory_space<semaphore_mem>>)
    %get3A_792 = arith.constant 3 : i32
    %get3A_793 = arith.index_cast %get3A_792 : i32 to index
    %get3A_794 = arith.constant 48 : index
    %get3A_795 = tpu.vector_load %arg7[%get3A_793, %get3A_794] {strides = array<i32>} : memref<4x128xi32, #tpu.memory_space<vmem>>, vector<1x16xi32>,
    %get3A_796 = vector.shape_cast %get3A_795 : vector<1x16xi32> to vector<16xi32>
    %get3A_797 = arith.constant 3 : i32
    %get3A_798 = arith.index_cast %get3A_797 : i32 to index
    %get3A_799 = arith.constant 48 : index
    %get3A_800 = tpu.vector_load %arg8[%get3A_798, %get3A_799] {strides = array<i32>} : memref<4x128xi32, #tpu.memory_space<vmem>>, vector<1x16xi32>,
    %get3A_801 = vector.shape_cast %get3A_800 : vector<1x16xi32> to vector<16xi32>
    %dma_start3A_802 = arith.constant 176 : i32
    %dma_start3A_803 = arith.constant 0 : i32
    %dma_start3A_804 = tpu.memref_slice %arg9[%dma_start3A_802, %dma_start3A_803] : memref<256x32xf32, #tpu.memory_space<vmem>> -> memref<16x32xf32, #tpu.memory_space<vmem>>
    %dma_start3A_805 = arith.constant 0 : i32
    %dma_start3A_806 = arith.constant 0 : i32
    %dma_start3A_807 = tpu.memref_slice %arg4[%dma_start3A_805, %dma_start3A_806] : memref<1000000x32xf32, #tpu.memory_space<hbm>> -> memref<1000000x32xf32, #tpu.memory_space<hbm>>
    tpu.enqueue_indirect_dma source(%dma_start3A_807 : memref<1000000x32xf32, #tpu.memory_space<hbm>>) target(%dma_start3A_804 : memref<16x32xf32, #tpu.memory_space<vmem>>) offsets(%get3A_796 : vector<16xi32>) semaphore(%arg12 : memref<!tpu.dma_semaphore, #tpu.memory_space<semaphore_mem>>)
    %dma_start3A_808 = arith.constant 176 : i32
    %dma_start3A_809 = arith.constant 0 : i32
    %dma_start3A_810 = tpu.memref_slice %arg10[%dma_start3A_808, %dma_start3A_809] : memref<256x32xf32, #tpu.memory_space<vmem>> -> memref<16x32xf32, #tpu.memory_space<vmem>>
    %dma_start3A_811 = arith.constant 0 : i32
    %dma_start3A_812 = arith.constant 0 : i32
    %dma_start3A_813 = tpu.memref_slice %arg5[%dma_start3A_811, %dma_start3A_812] : memref<1000000x32xf32, #tpu.memory_space<hbm>> -> memref<1000000x32xf32, #tpu.memory_space<hbm>>
    tpu.enqueue_indirect_dma source(%dma_start3A_813 : memref<1000000x32xf32, #tpu.memory_space<hbm>>) target(%dma_start3A_810 : memref<16x32xf32, #tpu.memory_space<vmem>>) offsets(%get3A_801 : vector<16xi32>) semaphore(%arg12 : memref<!tpu.dma_semaphore, #tpu.memory_space<semaphore_mem>>)
    %get3A_814 = arith.constant 3 : i32
    %get3A_815 = arith.index_cast %get3A_814 : i32 to index
    %get3A_816 = arith.constant 64 : index
    %get3A_817 = tpu.vector_load %arg7[%get3A_815, %get3A_816] {strides = array<i32>} : memref<4x128xi32, #tpu.memory_space<vmem>>, vector<1x16xi32>,
    %get3A_818 = vector.shape_cast %get3A_817 : vector<1x16xi32> to vector<16xi32>
    %get3A_819 = arith.constant 3 : i32
    %get3A_820 = arith.index_cast %get3A_819 : i32 to index
    %get3A_821 = arith.constant 64 : index
    %get3A_822 = tpu.vector_load %arg8[%get3A_820, %get3A_821] {strides = array<i32>} : memref<4x128xi32, #tpu.memory_space<vmem>>, vector<1x16xi32>,
    %get3A_823 = vector.shape_cast %get3A_822 : vector<1x16xi32> to vector<16xi32>
    %dma_start3A_824 = arith.constant 192 : i32
    %dma_start3A_825 = arith.constant 0 : i32
    %dma_start3A_826 = tpu.memref_slice %arg9[%dma_start3A_824, %dma_start3A_825] : memref<256x32xf32, #tpu.memory_space<vmem>> -> memref<16x32xf32, #tpu.memory_space<vmem>>
    %dma_start3A_827 = arith.constant 0 : i32
    %dma_start3A_828 = arith.constant 0 : i32
    %dma_start3A_829 = tpu.memref_slice %arg4[%dma_start3A_827, %dma_start3A_828] : memref<1000000x32xf32, #tpu.memory_space<hbm>> -> memref<1000000x32xf32, #tpu.memory_space<hbm>>
    tpu.enqueue_indirect_dma source(%dma_start3A_829 : memref<1000000x32xf32, #tpu.memory_space<hbm>>) target(%dma_start3A_826 : memref<16x32xf32, #tpu.memory_space<vmem>>) offsets(%get3A_818 : vector<16xi32>) semaphore(%arg12 : memref<!tpu.dma_semaphore, #tpu.memory_space<semaphore_mem>>)
    %dma_start3A_830 = arith.constant 192 : i32
    %dma_start3A_831 = arith.constant 0 : i32
    %dma_start3A_832 = tpu.memref_slice %arg10[%dma_start3A_830, %dma_start3A_831] : memref<256x32xf32, #tpu.memory_space<vmem>> -> memref<16x32xf32, #tpu.memory_space<vmem>>
    %dma_start3A_833 = arith.constant 0 : i32
    %dma_start3A_834 = arith.constant 0 : i32
    %dma_start3A_835 = tpu.memref_slice %arg5[%dma_start3A_833, %dma_start3A_834] : memref<1000000x32xf32, #tpu.memory_space<hbm>> -> memref<1000000x32xf32, #tpu.memory_space<hbm>>
    tpu.enqueue_indirect_dma source(%dma_start3A_835 : memref<1000000x32xf32, #tpu.memory_space<hbm>>) target(%dma_start3A_832 : memref<16x32xf32, #tpu.memory_space<vmem>>) offsets(%get3A_823 : vector<16xi32>) semaphore(%arg12 : memref<!tpu.dma_semaphore, #tpu.memory_space<semaphore_mem>>)
    %get3A_836 = arith.constant 3 : i32
    %get3A_837 = arith.index_cast %get3A_836 : i32 to index
    %get3A_838 = arith.constant 80 : index
    %get3A_839 = tpu.vector_load %arg7[%get3A_837, %get3A_838] {strides = array<i32>} : memref<4x128xi32, #tpu.memory_space<vmem>>, vector<1x16xi32>,
    %get3A_840 = vector.shape_cast %get3A_839 : vector<1x16xi32> to vector<16xi32>
    %get3A_841 = arith.constant 3 : i32
    %get3A_842 = arith.index_cast %get3A_841 : i32 to index
    %get3A_843 = arith.constant 80 : index
    %get3A_844 = tpu.vector_load %arg8[%get3A_842, %get3A_843] {strides = array<i32>} : memref<4x128xi32, #tpu.memory_space<vmem>>, vector<1x16xi32>,
    %get3A_845 = vector.shape_cast %get3A_844 : vector<1x16xi32> to vector<16xi32>
    %dma_start3A_846 = arith.constant 208 : i32
    %dma_start3A_847 = arith.constant 0 : i32
    %dma_start3A_848 = tpu.memref_slice %arg9[%dma_start3A_846, %dma_start3A_847] : memref<256x32xf32, #tpu.memory_space<vmem>> -> memref<16x32xf32, #tpu.memory_space<vmem>>
    %dma_start3A_849 = arith.constant 0 : i32
    %dma_start3A_850 = arith.constant 0 : i32
    %dma_start3A_851 = tpu.memref_slice %arg4[%dma_start3A_849, %dma_start3A_850] : memref<1000000x32xf32, #tpu.memory_space<hbm>> -> memref<1000000x32xf32, #tpu.memory_space<hbm>>
    tpu.enqueue_indirect_dma source(%dma_start3A_851 : memref<1000000x32xf32, #tpu.memory_space<hbm>>) target(%dma_start3A_848 : memref<16x32xf32, #tpu.memory_space<vmem>>) offsets(%get3A_840 : vector<16xi32>) semaphore(%arg12 : memref<!tpu.dma_semaphore, #tpu.memory_space<semaphore_mem>>)
    %dma_start3A_852 = arith.constant 208 : i32
    %dma_start3A_853 = arith.constant 0 : i32
    %dma_start3A_854 = tpu.memref_slice %arg10[%dma_start3A_852, %dma_start3A_853] : memref<256x32xf32, #tpu.memory_space<vmem>> -> memref<16x32xf32, #tpu.memory_space<vmem>>
    %dma_start3A_855 = arith.constant 0 : i32
    %dma_start3A_856 = arith.constant 0 : i32
    %dma_start3A_857 = tpu.memref_slice %arg5[%dma_start3A_855, %dma_start3A_856] : memref<1000000x32xf32, #tpu.memory_space<hbm>> -> memref<1000000x32xf32, #tpu.memory_space<hbm>>
    tpu.enqueue_indirect_dma source(%dma_start3A_857 : memref<1000000x32xf32, #tpu.memory_space<hbm>>) target(%dma_start3A_854 : memref<16x32xf32, #tpu.memory_space<vmem>>) offsets(%get3A_845 : vector<16xi32>) semaphore(%arg12 : memref<!tpu.dma_semaphore, #tpu.memory_space<semaphore_mem>>)
    %get3A_858 = arith.constant 3 : i32
    %get3A_859 = arith.index_cast %get3A_858 : i32 to index
    %get3A_860 = arith.constant 96 : index
    %get3A_861 = tpu.vector_load %arg7[%get3A_859, %get3A_860] {strides = array<i32>} : memref<4x128xi32, #tpu.memory_space<vmem>>, vector<1x16xi32>,
    %get3A_862 = vector.shape_cast %get3A_861 : vector<1x16xi32> to vector<16xi32>
    %get3A_863 = arith.constant 3 : i32
    %get3A_864 = arith.index_cast %get3A_863 : i32 to index
    %get3A_865 = arith.constant 96 : index
    %get3A_866 = tpu.vector_load %arg8[%get3A_864, %get3A_865] {strides = array<i32>} : memref<4x128xi32, #tpu.memory_space<vmem>>, vector<1x16xi32>,
    %get3A_867 = vector.shape_cast %get3A_866 : vector<1x16xi32> to vector<16xi32>
    %dma_start3A_868 = arith.constant 224 : i32
    %dma_start3A_869 = arith.constant 0 : i32
    %dma_start3A_870 = tpu.memref_slice %arg9[%dma_start3A_868, %dma_start3A_869] : memref<256x32xf32, #tpu.memory_space<vmem>> -> memref<16x32xf32, #tpu.memory_space<vmem>>
    %dma_start3A_871 = arith.constant 0 : i32
    %dma_start3A_872 = arith.constant 0 : i32
    %dma_start3A_873 = tpu.memref_slice %arg4[%dma_start3A_871, %dma_start3A_872] : memref<1000000x32xf32, #tpu.memory_space<hbm>> -> memref<1000000x32xf32, #tpu.memory_space<hbm>>
    tpu.enqueue_indirect_dma source(%dma_start3A_873 : memref<1000000x32xf32, #tpu.memory_space<hbm>>) target(%dma_start3A_870 : memref<16x32xf32, #tpu.memory_space<vmem>>) offsets(%get3A_862 : vector<16xi32>) semaphore(%arg12 : memref<!tpu.dma_semaphore, #tpu.memory_space<semaphore_mem>>)
    %dma_start3A_874 = arith.constant 224 : i32
    %dma_start3A_875 = arith.constant 0 : i32
    %dma_start3A_876 = tpu.memref_slice %arg10[%dma_start3A_874, %dma_start3A_875] : memref<256x32xf32, #tpu.memory_space<vmem>> -> memref<16x32xf32, #tpu.memory_space<vmem>>
    %dma_start3A_877 = arith.constant 0 : i32
    %dma_start3A_878 = arith.constant 0 : i32
    %dma_start3A_879 = tpu.memref_slice %arg5[%dma_start3A_877, %dma_start3A_878] : memref<1000000x32xf32, #tpu.memory_space<hbm>> -> memref<1000000x32xf32, #tpu.memory_space<hbm>>
    tpu.enqueue_indirect_dma source(%dma_start3A_879 : memref<1000000x32xf32, #tpu.memory_space<hbm>>) target(%dma_start3A_876 : memref<16x32xf32, #tpu.memory_space<vmem>>) offsets(%get3A_867 : vector<16xi32>) semaphore(%arg12 : memref<!tpu.dma_semaphore, #tpu.memory_space<semaphore_mem>>)
    %get3A_880 = arith.constant 3 : i32
    %get3A_881 = arith.index_cast %get3A_880 : i32 to index
    %get3A_882 = arith.constant 112 : index
    %get3A_883 = tpu.vector_load %arg7[%get3A_881, %get3A_882] {strides = array<i32>} : memref<4x128xi32, #tpu.memory_space<vmem>>, vector<1x16xi32>,
    %get3A_884 = vector.shape_cast %get3A_883 : vector<1x16xi32> to vector<16xi32>
    %get3A_885 = arith.constant 3 : i32
    %get3A_886 = arith.index_cast %get3A_885 : i32 to index
    %get3A_887 = arith.constant 112 : index
    %get3A_888 = tpu.vector_load %arg8[%get3A_886, %get3A_887] {strides = array<i32>} : memref<4x128xi32, #tpu.memory_space<vmem>>, vector<1x16xi32>,
    %get3A_889 = vector.shape_cast %get3A_888 : vector<1x16xi32> to vector<16xi32>
    %dma_start3A_890 = arith.constant 240 : i32
    %dma_start3A_891 = arith.constant 0 : i32
    %dma_start3A_892 = tpu.memref_slice %arg9[%dma_start3A_890, %dma_start3A_891] : memref<256x32xf32, #tpu.memory_space<vmem>> -> memref<16x32xf32, #tpu.memory_space<vmem>>
    %dma_start3A_893 = arith.constant 0 : i32
    %dma_start3A_894 = arith.constant 0 : i32
    %dma_start3A_895 = tpu.memref_slice %arg4[%dma_start3A_893, %dma_start3A_894] : memref<1000000x32xf32, #tpu.memory_space<hbm>> -> memref<1000000x32xf32, #tpu.memory_space<hbm>>
    tpu.enqueue_indirect_dma source(%dma_start3A_895 : memref<1000000x32xf32, #tpu.memory_space<hbm>>) target(%dma_start3A_892 : memref<16x32xf32, #tpu.memory_space<vmem>>) offsets(%get3A_884 : vector<16xi32>) semaphore(%arg12 : memref<!tpu.dma_semaphore, #tpu.memory_space<semaphore_mem>>)
    %dma_start3A_896 = arith.constant 240 : i32
    %dma_start3A_897 = arith.constant 0 : i32
    %dma_start3A_898 = tpu.memref_slice %arg10[%dma_start3A_896, %dma_start3A_897] : memref<256x32xf32, #tpu.memory_space<vmem>> -> memref<16x32xf32, #tpu.memory_space<vmem>>
    %dma_start3A_899 = arith.constant 0 : i32
    %dma_start3A_900 = arith.constant 0 : i32
    %dma_start3A_901 = tpu.memref_slice %arg5[%dma_start3A_899, %dma_start3A_900] : memref<1000000x32xf32, #tpu.memory_space<hbm>> -> memref<1000000x32xf32, #tpu.memory_space<hbm>>
    tpu.enqueue_indirect_dma source(%dma_start3A_901 : memref<1000000x32xf32, #tpu.memory_space<hbm>>) target(%dma_start3A_898 : memref<16x32xf32, #tpu.memory_space<vmem>>) offsets(%get3A_889 : vector<16xi32>) semaphore(%arg12 : memref<!tpu.dma_semaphore, #tpu.memory_space<semaphore_mem>>)
    %dma_wait3A_902 = arith.constant 0 : i32
    %dma_wait3A_903 = arith.constant 0 : i32
    %dma_wait3A_904 = tpu.memref_slice %arg9[%dma_wait3A_902, %dma_wait3A_903] : memref<256x32xf32, #tpu.memory_space<vmem>> -> memref<16x32xf32, #tpu.memory_space<vmem>>
    %dma_wait3A_905 = arith.constant 0 : i32
    %dma_wait3A_906 = arith.constant 0 : i32
    %dma_wait3A_907 = tpu.memref_slice %arg4[%dma_wait3A_905, %dma_wait3A_906] : memref<1000000x32xf32, #tpu.memory_space<hbm>> -> memref<1000000x32xf32, #tpu.memory_space<hbm>>
    tpu.wait_indirect_dma semaphore(%arg12 : memref<!tpu.dma_semaphore, #tpu.memory_space<semaphore_mem>>) src(%dma_wait3A_907 : memref<1000000x32xf32, #tpu.memory_space<hbm>>) dst(%dma_wait3A_904 : memref<16x32xf32, #tpu.memory_space<vmem>>)
    %dma_wait3A_908 = arith.constant 0 : i32
    %dma_wait3A_909 = arith.constant 0 : i32
    %dma_wait3A_910 = tpu.memref_slice %arg10[%dma_wait3A_908, %dma_wait3A_909] : memref<256x32xf32, #tpu.memory_space<vmem>> -> memref<16x32xf32, #tpu.memory_space<vmem>>
    %dma_wait3A_911 = arith.constant 0 : i32
    %dma_wait3A_912 = arith.constant 0 : i32
    %dma_wait3A_913 = tpu.memref_slice %arg5[%dma_wait3A_911, %dma_wait3A_912] : memref<1000000x32xf32, #tpu.memory_space<hbm>> -> memref<1000000x32xf32, #tpu.memory_space<hbm>>
    tpu.wait_indirect_dma semaphore(%arg12 : memref<!tpu.dma_semaphore, #tpu.memory_space<semaphore_mem>>) src(%dma_wait3A_913 : memref<1000000x32xf32, #tpu.memory_space<hbm>>) dst(%dma_wait3A_910 : memref<16x32xf32, #tpu.memory_space<vmem>>)
    %dma_wait3A_914 = arith.constant 16 : i32
    %dma_wait3A_915 = arith.constant 0 : i32
    %dma_wait3A_916 = tpu.memref_slice %arg9[%dma_wait3A_914, %dma_wait3A_915] : memref<256x32xf32, #tpu.memory_space<vmem>> -> memref<16x32xf32, #tpu.memory_space<vmem>>
    %dma_wait3A_917 = arith.constant 0 : i32
    %dma_wait3A_918 = arith.constant 0 : i32
    %dma_wait3A_919 = tpu.memref_slice %arg4[%dma_wait3A_917, %dma_wait3A_918] : memref<1000000x32xf32, #tpu.memory_space<hbm>> -> memref<1000000x32xf32, #tpu.memory_space<hbm>>
    tpu.wait_indirect_dma semaphore(%arg12 : memref<!tpu.dma_semaphore, #tpu.memory_space<semaphore_mem>>) src(%dma_wait3A_919 : memref<1000000x32xf32, #tpu.memory_space<hbm>>) dst(%dma_wait3A_916 : memref<16x32xf32, #tpu.memory_space<vmem>>)
    %dma_wait3A_920 = arith.constant 16 : i32
    %dma_wait3A_921 = arith.constant 0 : i32
    %dma_wait3A_922 = tpu.memref_slice %arg10[%dma_wait3A_920, %dma_wait3A_921] : memref<256x32xf32, #tpu.memory_space<vmem>> -> memref<16x32xf32, #tpu.memory_space<vmem>>
    %dma_wait3A_923 = arith.constant 0 : i32
    %dma_wait3A_924 = arith.constant 0 : i32
    %dma_wait3A_925 = tpu.memref_slice %arg5[%dma_wait3A_923, %dma_wait3A_924] : memref<1000000x32xf32, #tpu.memory_space<hbm>> -> memref<1000000x32xf32, #tpu.memory_space<hbm>>
    tpu.wait_indirect_dma semaphore(%arg12 : memref<!tpu.dma_semaphore, #tpu.memory_space<semaphore_mem>>) src(%dma_wait3A_925 : memref<1000000x32xf32, #tpu.memory_space<hbm>>) dst(%dma_wait3A_922 : memref<16x32xf32, #tpu.memory_space<vmem>>)
    %dma_wait3A_926 = arith.constant 32 : i32
    %dma_wait3A_927 = arith.constant 0 : i32
    %dma_wait3A_928 = tpu.memref_slice %arg9[%dma_wait3A_926, %dma_wait3A_927] : memref<256x32xf32, #tpu.memory_space<vmem>> -> memref<16x32xf32, #tpu.memory_space<vmem>>
    %dma_wait3A_929 = arith.constant 0 : i32
    %dma_wait3A_930 = arith.constant 0 : i32
    %dma_wait3A_931 = tpu.memref_slice %arg4[%dma_wait3A_929, %dma_wait3A_930] : memref<1000000x32xf32, #tpu.memory_space<hbm>> -> memref<1000000x32xf32, #tpu.memory_space<hbm>>
    tpu.wait_indirect_dma semaphore(%arg12 : memref<!tpu.dma_semaphore, #tpu.memory_space<semaphore_mem>>) src(%dma_wait3A_931 : memref<1000000x32xf32, #tpu.memory_space<hbm>>) dst(%dma_wait3A_928 : memref<16x32xf32, #tpu.memory_space<vmem>>)
    %dma_wait3A_932 = arith.constant 32 : i32
    %dma_wait3A_933 = arith.constant 0 : i32
    %dma_wait3A_934 = tpu.memref_slice %arg10[%dma_wait3A_932, %dma_wait3A_933] : memref<256x32xf32, #tpu.memory_space<vmem>> -> memref<16x32xf32, #tpu.memory_space<vmem>>
    %dma_wait3A_935 = arith.constant 0 : i32
    %dma_wait3A_936 = arith.constant 0 : i32
    %dma_wait3A_937 = tpu.memref_slice %arg5[%dma_wait3A_935, %dma_wait3A_936] : memref<1000000x32xf32, #tpu.memory_space<hbm>> -> memref<1000000x32xf32, #tpu.memory_space<hbm>>
    tpu.wait_indirect_dma semaphore(%arg12 : memref<!tpu.dma_semaphore, #tpu.memory_space<semaphore_mem>>) src(%dma_wait3A_937 : memref<1000000x32xf32, #tpu.memory_space<hbm>>) dst(%dma_wait3A_934 : memref<16x32xf32, #tpu.memory_space<vmem>>)
    %dma_wait3A_938 = arith.constant 48 : i32
    %dma_wait3A_939 = arith.constant 0 : i32
    %dma_wait3A_940 = tpu.memref_slice %arg9[%dma_wait3A_938, %dma_wait3A_939] : memref<256x32xf32, #tpu.memory_space<vmem>> -> memref<16x32xf32, #tpu.memory_space<vmem>>
    %dma_wait3A_941 = arith.constant 0 : i32
    %dma_wait3A_942 = arith.constant 0 : i32
    %dma_wait3A_943 = tpu.memref_slice %arg4[%dma_wait3A_941, %dma_wait3A_942] : memref<1000000x32xf32, #tpu.memory_space<hbm>> -> memref<1000000x32xf32, #tpu.memory_space<hbm>>
    tpu.wait_indirect_dma semaphore(%arg12 : memref<!tpu.dma_semaphore, #tpu.memory_space<semaphore_mem>>) src(%dma_wait3A_943 : memref<1000000x32xf32, #tpu.memory_space<hbm>>) dst(%dma_wait3A_940 : memref<16x32xf32, #tpu.memory_space<vmem>>)
    %dma_wait3A_944 = arith.constant 48 : i32
    %dma_wait3A_945 = arith.constant 0 : i32
    %dma_wait3A_946 = tpu.memref_slice %arg10[%dma_wait3A_944, %dma_wait3A_945] : memref<256x32xf32, #tpu.memory_space<vmem>> -> memref<16x32xf32, #tpu.memory_space<vmem>>
    %dma_wait3A_947 = arith.constant 0 : i32
    %dma_wait3A_948 = arith.constant 0 : i32
    %dma_wait3A_949 = tpu.memref_slice %arg5[%dma_wait3A_947, %dma_wait3A_948] : memref<1000000x32xf32, #tpu.memory_space<hbm>> -> memref<1000000x32xf32, #tpu.memory_space<hbm>>
    tpu.wait_indirect_dma semaphore(%arg12 : memref<!tpu.dma_semaphore, #tpu.memory_space<semaphore_mem>>) src(%dma_wait3A_949 : memref<1000000x32xf32, #tpu.memory_space<hbm>>) dst(%dma_wait3A_946 : memref<16x32xf32, #tpu.memory_space<vmem>>)
    %dma_wait3A_950 = arith.constant 64 : i32
    %dma_wait3A_951 = arith.constant 0 : i32
    %dma_wait3A_952 = tpu.memref_slice %arg9[%dma_wait3A_950, %dma_wait3A_951] : memref<256x32xf32, #tpu.memory_space<vmem>> -> memref<16x32xf32, #tpu.memory_space<vmem>>
    %dma_wait3A_953 = arith.constant 0 : i32
    %dma_wait3A_954 = arith.constant 0 : i32
    %dma_wait3A_955 = tpu.memref_slice %arg4[%dma_wait3A_953, %dma_wait3A_954] : memref<1000000x32xf32, #tpu.memory_space<hbm>> -> memref<1000000x32xf32, #tpu.memory_space<hbm>>
    tpu.wait_indirect_dma semaphore(%arg12 : memref<!tpu.dma_semaphore, #tpu.memory_space<semaphore_mem>>) src(%dma_wait3A_955 : memref<1000000x32xf32, #tpu.memory_space<hbm>>) dst(%dma_wait3A_952 : memref<16x32xf32, #tpu.memory_space<vmem>>)
    %dma_wait3A_956 = arith.constant 64 : i32
    %dma_wait3A_957 = arith.constant 0 : i32
    %dma_wait3A_958 = tpu.memref_slice %arg10[%dma_wait3A_956, %dma_wait3A_957] : memref<256x32xf32, #tpu.memory_space<vmem>> -> memref<16x32xf32, #tpu.memory_space<vmem>>
    %dma_wait3A_959 = arith.constant 0 : i32
    %dma_wait3A_960 = arith.constant 0 : i32
    %dma_wait3A_961 = tpu.memref_slice %arg5[%dma_wait3A_959, %dma_wait3A_960] : memref<1000000x32xf32, #tpu.memory_space<hbm>> -> memref<1000000x32xf32, #tpu.memory_space<hbm>>
    tpu.wait_indirect_dma semaphore(%arg12 : memref<!tpu.dma_semaphore, #tpu.memory_space<semaphore_mem>>) src(%dma_wait3A_961 : memref<1000000x32xf32, #tpu.memory_space<hbm>>) dst(%dma_wait3A_958 : memref<16x32xf32, #tpu.memory_space<vmem>>)
    %dma_wait3A_962 = arith.constant 80 : i32
    %dma_wait3A_963 = arith.constant 0 : i32
    %dma_wait3A_964 = tpu.memref_slice %arg9[%dma_wait3A_962, %dma_wait3A_963] : memref<256x32xf32, #tpu.memory_space<vmem>> -> memref<16x32xf32, #tpu.memory_space<vmem>>
    %dma_wait3A_965 = arith.constant 0 : i32
    %dma_wait3A_966 = arith.constant 0 : i32
    %dma_wait3A_967 = tpu.memref_slice %arg4[%dma_wait3A_965, %dma_wait3A_966] : memref<1000000x32xf32, #tpu.memory_space<hbm>> -> memref<1000000x32xf32, #tpu.memory_space<hbm>>
    tpu.wait_indirect_dma semaphore(%arg12 : memref<!tpu.dma_semaphore, #tpu.memory_space<semaphore_mem>>) src(%dma_wait3A_967 : memref<1000000x32xf32, #tpu.memory_space<hbm>>) dst(%dma_wait3A_964 : memref<16x32xf32, #tpu.memory_space<vmem>>)
    %dma_wait3A_968 = arith.constant 80 : i32
    %dma_wait3A_969 = arith.constant 0 : i32
    %dma_wait3A_970 = tpu.memref_slice %arg10[%dma_wait3A_968, %dma_wait3A_969] : memref<256x32xf32, #tpu.memory_space<vmem>> -> memref<16x32xf32, #tpu.memory_space<vmem>>
    %dma_wait3A_971 = arith.constant 0 : i32
    %dma_wait3A_972 = arith.constant 0 : i32
    %dma_wait3A_973 = tpu.memref_slice %arg5[%dma_wait3A_971, %dma_wait3A_972] : memref<1000000x32xf32, #tpu.memory_space<hbm>> -> memref<1000000x32xf32, #tpu.memory_space<hbm>>
    tpu.wait_indirect_dma semaphore(%arg12 : memref<!tpu.dma_semaphore, #tpu.memory_space<semaphore_mem>>) src(%dma_wait3A_973 : memref<1000000x32xf32, #tpu.memory_space<hbm>>) dst(%dma_wait3A_970 : memref<16x32xf32, #tpu.memory_space<vmem>>)
    %dma_wait3A_974 = arith.constant 96 : i32
    %dma_wait3A_975 = arith.constant 0 : i32
    %dma_wait3A_976 = tpu.memref_slice %arg9[%dma_wait3A_974, %dma_wait3A_975] : memref<256x32xf32, #tpu.memory_space<vmem>> -> memref<16x32xf32, #tpu.memory_space<vmem>>
    %dma_wait3A_977 = arith.constant 0 : i32
    %dma_wait3A_978 = arith.constant 0 : i32
    %dma_wait3A_979 = tpu.memref_slice %arg4[%dma_wait3A_977, %dma_wait3A_978] : memref<1000000x32xf32, #tpu.memory_space<hbm>> -> memref<1000000x32xf32, #tpu.memory_space<hbm>>
    tpu.wait_indirect_dma semaphore(%arg12 : memref<!tpu.dma_semaphore, #tpu.memory_space<semaphore_mem>>) src(%dma_wait3A_979 : memref<1000000x32xf32, #tpu.memory_space<hbm>>) dst(%dma_wait3A_976 : memref<16x32xf32, #tpu.memory_space<vmem>>)
    %dma_wait3A_980 = arith.constant 96 : i32
    %dma_wait3A_981 = arith.constant 0 : i32
    %dma_wait3A_982 = tpu.memref_slice %arg10[%dma_wait3A_980, %dma_wait3A_981] : memref<256x32xf32, #tpu.memory_space<vmem>> -> memref<16x32xf32, #tpu.memory_space<vmem>>
    %dma_wait3A_983 = arith.constant 0 : i32
    %dma_wait3A_984 = arith.constant 0 : i32
    %dma_wait3A_985 = tpu.memref_slice %arg5[%dma_wait3A_983, %dma_wait3A_984] : memref<1000000x32xf32, #tpu.memory_space<hbm>> -> memref<1000000x32xf32, #tpu.memory_space<hbm>>
    tpu.wait_indirect_dma semaphore(%arg12 : memref<!tpu.dma_semaphore, #tpu.memory_space<semaphore_mem>>) src(%dma_wait3A_985 : memref<1000000x32xf32, #tpu.memory_space<hbm>>) dst(%dma_wait3A_982 : memref<16x32xf32, #tpu.memory_space<vmem>>)
    %dma_wait3A_986 = arith.constant 112 : i32
    %dma_wait3A_987 = arith.constant 0 : i32
    %dma_wait3A_988 = tpu.memref_slice %arg9[%dma_wait3A_986, %dma_wait3A_987] : memref<256x32xf32, #tpu.memory_space<vmem>> -> memref<16x32xf32, #tpu.memory_space<vmem>>
    %dma_wait3A_989 = arith.constant 0 : i32
    %dma_wait3A_990 = arith.constant 0 : i32
    %dma_wait3A_991 = tpu.memref_slice %arg4[%dma_wait3A_989, %dma_wait3A_990] : memref<1000000x32xf32, #tpu.memory_space<hbm>> -> memref<1000000x32xf32, #tpu.memory_space<hbm>>
    tpu.wait_indirect_dma semaphore(%arg12 : memref<!tpu.dma_semaphore, #tpu.memory_space<semaphore_mem>>) src(%dma_wait3A_991 : memref<1000000x32xf32, #tpu.memory_space<hbm>>) dst(%dma_wait3A_988 : memref<16x32xf32, #tpu.memory_space<vmem>>)
    %dma_wait3A_992 = arith.constant 112 : i32
    %dma_wait3A_993 = arith.constant 0 : i32
    %dma_wait3A_994 = tpu.memref_slice %arg10[%dma_wait3A_992, %dma_wait3A_993] : memref<256x32xf32, #tpu.memory_space<vmem>> -> memref<16x32xf32, #tpu.memory_space<vmem>>
    %dma_wait3A_995 = arith.constant 0 : i32
    %dma_wait3A_996 = arith.constant 0 : i32
    %dma_wait3A_997 = tpu.memref_slice %arg5[%dma_wait3A_995, %dma_wait3A_996] : memref<1000000x32xf32, #tpu.memory_space<hbm>> -> memref<1000000x32xf32, #tpu.memory_space<hbm>>
    tpu.wait_indirect_dma semaphore(%arg12 : memref<!tpu.dma_semaphore, #tpu.memory_space<semaphore_mem>>) src(%dma_wait3A_997 : memref<1000000x32xf32, #tpu.memory_space<hbm>>) dst(%dma_wait3A_994 : memref<16x32xf32, #tpu.memory_space<vmem>>)
    %dma_wait3A_998 = arith.constant 128 : i32
    %dma_wait3A_999 = arith.constant 0 : i32
    %dma_wait3A_1000 = tpu.memref_slice %arg9[%dma_wait3A_998, %dma_wait3A_999] : memref<256x32xf32, #tpu.memory_space<vmem>> -> memref<16x32xf32, #tpu.memory_space<vmem>>
    %dma_wait3A_1001 = arith.constant 0 : i32
    %dma_wait3A_1002 = arith.constant 0 : i32
    %dma_wait3A_1003 = tpu.memref_slice %arg4[%dma_wait3A_1001, %dma_wait3A_1002] : memref<1000000x32xf32, #tpu.memory_space<hbm>> -> memref<1000000x32xf32, #tpu.memory_space<hbm>>
    tpu.wait_indirect_dma semaphore(%arg12 : memref<!tpu.dma_semaphore, #tpu.memory_space<semaphore_mem>>) src(%dma_wait3A_1003 : memref<1000000x32xf32, #tpu.memory_space<hbm>>) dst(%dma_wait3A_1000 : memref<16x32xf32, #tpu.memory_space<vmem>>)
    %dma_wait3A_1004 = arith.constant 128 : i32
    %dma_wait3A_1005 = arith.constant 0 : i32
    %dma_wait3A_1006 = tpu.memref_slice %arg10[%dma_wait3A_1004, %dma_wait3A_1005] : memref<256x32xf32, #tpu.memory_space<vmem>> -> memref<16x32xf32, #tpu.memory_space<vmem>>
    %dma_wait3A_1007 = arith.constant 0 : i32
    %dma_wait3A_1008 = arith.constant 0 : i32
    %dma_wait3A_1009 = tpu.memref_slice %arg5[%dma_wait3A_1007, %dma_wait3A_1008] : memref<1000000x32xf32, #tpu.memory_space<hbm>> -> memref<1000000x32xf32, #tpu.memory_space<hbm>>
    tpu.wait_indirect_dma semaphore(%arg12 : memref<!tpu.dma_semaphore, #tpu.memory_space<semaphore_mem>>) src(%dma_wait3A_1009 : memref<1000000x32xf32, #tpu.memory_space<hbm>>) dst(%dma_wait3A_1006 : memref<16x32xf32, #tpu.memory_space<vmem>>)
    %dma_wait3A_1010 = arith.constant 144 : i32
    %dma_wait3A_1011 = arith.constant 0 : i32
    %dma_wait3A_1012 = tpu.memref_slice %arg9[%dma_wait3A_1010, %dma_wait3A_1011] : memref<256x32xf32, #tpu.memory_space<vmem>> -> memref<16x32xf32, #tpu.memory_space<vmem>>
    %dma_wait3A_1013 = arith.constant 0 : i32
    %dma_wait3A_1014 = arith.constant 0 : i32
    %dma_wait3A_1015 = tpu.memref_slice %arg4[%dma_wait3A_1013, %dma_wait3A_1014] : memref<1000000x32xf32, #tpu.memory_space<hbm>> -> memref<1000000x32xf32, #tpu.memory_space<hbm>>
    tpu.wait_indirect_dma semaphore(%arg12 : memref<!tpu.dma_semaphore, #tpu.memory_space<semaphore_mem>>) src(%dma_wait3A_1015 : memref<1000000x32xf32, #tpu.memory_space<hbm>>) dst(%dma_wait3A_1012 : memref<16x32xf32, #tpu.memory_space<vmem>>)
    %dma_wait3A_1016 = arith.constant 144 : i32
    %dma_wait3A_1017 = arith.constant 0 : i32
    %dma_wait3A_1018 = tpu.memref_slice %arg10[%dma_wait3A_1016, %dma_wait3A_1017] : memref<256x32xf32, #tpu.memory_space<vmem>> -> memref<16x32xf32, #tpu.memory_space<vmem>>
    %dma_wait3A_1019 = arith.constant 0 : i32
    %dma_wait3A_1020 = arith.constant 0 : i32
    %dma_wait3A_1021 = tpu.memref_slice %arg5[%dma_wait3A_1019, %dma_wait3A_1020] : memref<1000000x32xf32, #tpu.memory_space<hbm>> -> memref<1000000x32xf32, #tpu.memory_space<hbm>>
    tpu.wait_indirect_dma semaphore(%arg12 : memref<!tpu.dma_semaphore, #tpu.memory_space<semaphore_mem>>) src(%dma_wait3A_1021 : memref<1000000x32xf32, #tpu.memory_space<hbm>>) dst(%dma_wait3A_1018 : memref<16x32xf32, #tpu.memory_space<vmem>>)
    %dma_wait3A_1022 = arith.constant 160 : i32
    %dma_wait3A_1023 = arith.constant 0 : i32
    %dma_wait3A_1024 = tpu.memref_slice %arg9[%dma_wait3A_1022, %dma_wait3A_1023] : memref<256x32xf32, #tpu.memory_space<vmem>> -> memref<16x32xf32, #tpu.memory_space<vmem>>
    %dma_wait3A_1025 = arith.constant 0 : i32
    %dma_wait3A_1026 = arith.constant 0 : i32
    %dma_wait3A_1027 = tpu.memref_slice %arg4[%dma_wait3A_1025, %dma_wait3A_1026] : memref<1000000x32xf32, #tpu.memory_space<hbm>> -> memref<1000000x32xf32, #tpu.memory_space<hbm>>
    tpu.wait_indirect_dma semaphore(%arg12 : memref<!tpu.dma_semaphore, #tpu.memory_space<semaphore_mem>>) src(%dma_wait3A_1027 : memref<1000000x32xf32, #tpu.memory_space<hbm>>) dst(%dma_wait3A_1024 : memref<16x32xf32, #tpu.memory_space<vmem>>)
    %dma_wait3A_1028 = arith.constant 160 : i32
    %dma_wait3A_1029 = arith.constant 0 : i32
    %dma_wait3A_1030 = tpu.memref_slice %arg10[%dma_wait3A_1028, %dma_wait3A_1029] : memref<256x32xf32, #tpu.memory_space<vmem>> -> memref<16x32xf32, #tpu.memory_space<vmem>>
    %dma_wait3A_1031 = arith.constant 0 : i32
    %dma_wait3A_1032 = arith.constant 0 : i32
    %dma_wait3A_1033 = tpu.memref_slice %arg5[%dma_wait3A_1031, %dma_wait3A_1032] : memref<1000000x32xf32, #tpu.memory_space<hbm>> -> memref<1000000x32xf32, #tpu.memory_space<hbm>>
    tpu.wait_indirect_dma semaphore(%arg12 : memref<!tpu.dma_semaphore, #tpu.memory_space<semaphore_mem>>) src(%dma_wait3A_1033 : memref<1000000x32xf32, #tpu.memory_space<hbm>>) dst(%dma_wait3A_1030 : memref<16x32xf32, #tpu.memory_space<vmem>>)
    %dma_wait3A_1034 = arith.constant 176 : i32
    %dma_wait3A_1035 = arith.constant 0 : i32
    %dma_wait3A_1036 = tpu.memref_slice %arg9[%dma_wait3A_1034, %dma_wait3A_1035] : memref<256x32xf32, #tpu.memory_space<vmem>> -> memref<16x32xf32, #tpu.memory_space<vmem>>
    %dma_wait3A_1037 = arith.constant 0 : i32
    %dma_wait3A_1038 = arith.constant 0 : i32
    %dma_wait3A_1039 = tpu.memref_slice %arg4[%dma_wait3A_1037, %dma_wait3A_1038] : memref<1000000x32xf32, #tpu.memory_space<hbm>> -> memref<1000000x32xf32, #tpu.memory_space<hbm>>
    tpu.wait_indirect_dma semaphore(%arg12 : memref<!tpu.dma_semaphore, #tpu.memory_space<semaphore_mem>>) src(%dma_wait3A_1039 : memref<1000000x32xf32, #tpu.memory_space<hbm>>) dst(%dma_wait3A_1036 : memref<16x32xf32, #tpu.memory_space<vmem>>)
    %dma_wait3A_1040 = arith.constant 176 : i32
    %dma_wait3A_1041 = arith.constant 0 : i32
    %dma_wait3A_1042 = tpu.memref_slice %arg10[%dma_wait3A_1040, %dma_wait3A_1041] : memref<256x32xf32, #tpu.memory_space<vmem>> -> memref<16x32xf32, #tpu.memory_space<vmem>>
    %dma_wait3A_1043 = arith.constant 0 : i32
    %dma_wait3A_1044 = arith.constant 0 : i32
    %dma_wait3A_1045 = tpu.memref_slice %arg5[%dma_wait3A_1043, %dma_wait3A_1044] : memref<1000000x32xf32, #tpu.memory_space<hbm>> -> memref<1000000x32xf32, #tpu.memory_space<hbm>>
    tpu.wait_indirect_dma semaphore(%arg12 : memref<!tpu.dma_semaphore, #tpu.memory_space<semaphore_mem>>) src(%dma_wait3A_1045 : memref<1000000x32xf32, #tpu.memory_space<hbm>>) dst(%dma_wait3A_1042 : memref<16x32xf32, #tpu.memory_space<vmem>>)
    %dma_wait3A_1046 = arith.constant 192 : i32
    %dma_wait3A_1047 = arith.constant 0 : i32
    %dma_wait3A_1048 = tpu.memref_slice %arg9[%dma_wait3A_1046, %dma_wait3A_1047] : memref<256x32xf32, #tpu.memory_space<vmem>> -> memref<16x32xf32, #tpu.memory_space<vmem>>
    %dma_wait3A_1049 = arith.constant 0 : i32
    %dma_wait3A_1050 = arith.constant 0 : i32
    %dma_wait3A_1051 = tpu.memref_slice %arg4[%dma_wait3A_1049, %dma_wait3A_1050] : memref<1000000x32xf32, #tpu.memory_space<hbm>> -> memref<1000000x32xf32, #tpu.memory_space<hbm>>
    tpu.wait_indirect_dma semaphore(%arg12 : memref<!tpu.dma_semaphore, #tpu.memory_space<semaphore_mem>>) src(%dma_wait3A_1051 : memref<1000000x32xf32, #tpu.memory_space<hbm>>) dst(%dma_wait3A_1048 : memref<16x32xf32, #tpu.memory_space<vmem>>)
    %dma_wait3A_1052 = arith.constant 192 : i32
    %dma_wait3A_1053 = arith.constant 0 : i32
    %dma_wait3A_1054 = tpu.memref_slice %arg10[%dma_wait3A_1052, %dma_wait3A_1053] : memref<256x32xf32, #tpu.memory_space<vmem>> -> memref<16x32xf32, #tpu.memory_space<vmem>>
    %dma_wait3A_1055 = arith.constant 0 : i32
    %dma_wait3A_1056 = arith.constant 0 : i32
    %dma_wait3A_1057 = tpu.memref_slice %arg5[%dma_wait3A_1055, %dma_wait3A_1056] : memref<1000000x32xf32, #tpu.memory_space<hbm>> -> memref<1000000x32xf32, #tpu.memory_space<hbm>>
    tpu.wait_indirect_dma semaphore(%arg12 : memref<!tpu.dma_semaphore, #tpu.memory_space<semaphore_mem>>) src(%dma_wait3A_1057 : memref<1000000x32xf32, #tpu.memory_space<hbm>>) dst(%dma_wait3A_1054 : memref<16x32xf32, #tpu.memory_space<vmem>>)
    %dma_wait3A_1058 = arith.constant 208 : i32
    %dma_wait3A_1059 = arith.constant 0 : i32
    %dma_wait3A_1060 = tpu.memref_slice %arg9[%dma_wait3A_1058, %dma_wait3A_1059] : memref<256x32xf32, #tpu.memory_space<vmem>> -> memref<16x32xf32, #tpu.memory_space<vmem>>
    %dma_wait3A_1061 = arith.constant 0 : i32
    %dma_wait3A_1062 = arith.constant 0 : i32
    %dma_wait3A_1063 = tpu.memref_slice %arg4[%dma_wait3A_1061, %dma_wait3A_1062] : memref<1000000x32xf32, #tpu.memory_space<hbm>> -> memref<1000000x32xf32, #tpu.memory_space<hbm>>
    tpu.wait_indirect_dma semaphore(%arg12 : memref<!tpu.dma_semaphore, #tpu.memory_space<semaphore_mem>>) src(%dma_wait3A_1063 : memref<1000000x32xf32, #tpu.memory_space<hbm>>) dst(%dma_wait3A_1060 : memref<16x32xf32, #tpu.memory_space<vmem>>)
    %dma_wait3A_1064 = arith.constant 208 : i32
    %dma_wait3A_1065 = arith.constant 0 : i32
    %dma_wait3A_1066 = tpu.memref_slice %arg10[%dma_wait3A_1064, %dma_wait3A_1065] : memref<256x32xf32, #tpu.memory_space<vmem>> -> memref<16x32xf32, #tpu.memory_space<vmem>>
    %dma_wait3A_1067 = arith.constant 0 : i32
    %dma_wait3A_1068 = arith.constant 0 : i32
    %dma_wait3A_1069 = tpu.memref_slice %arg5[%dma_wait3A_1067, %dma_wait3A_1068] : memref<1000000x32xf32, #tpu.memory_space<hbm>> -> memref<1000000x32xf32, #tpu.memory_space<hbm>>
    tpu.wait_indirect_dma semaphore(%arg12 : memref<!tpu.dma_semaphore, #tpu.memory_space<semaphore_mem>>) src(%dma_wait3A_1069 : memref<1000000x32xf32, #tpu.memory_space<hbm>>) dst(%dma_wait3A_1066 : memref<16x32xf32, #tpu.memory_space<vmem>>)
    %dma_wait3A_1070 = arith.constant 224 : i32
    %dma_wait3A_1071 = arith.constant 0 : i32
    %dma_wait3A_1072 = tpu.memref_slice %arg9[%dma_wait3A_1070, %dma_wait3A_1071] : memref<256x32xf32, #tpu.memory_space<vmem>> -> memref<16x32xf32, #tpu.memory_space<vmem>>
    %dma_wait3A_1073 = arith.constant 0 : i32
    %dma_wait3A_1074 = arith.constant 0 : i32
    %dma_wait3A_1075 = tpu.memref_slice %arg4[%dma_wait3A_1073, %dma_wait3A_1074] : memref<1000000x32xf32, #tpu.memory_space<hbm>> -> memref<1000000x32xf32, #tpu.memory_space<hbm>>
    tpu.wait_indirect_dma semaphore(%arg12 : memref<!tpu.dma_semaphore, #tpu.memory_space<semaphore_mem>>) src(%dma_wait3A_1075 : memref<1000000x32xf32, #tpu.memory_space<hbm>>) dst(%dma_wait3A_1072 : memref<16x32xf32, #tpu.memory_space<vmem>>)
    %dma_wait3A_1076 = arith.constant 224 : i32
    %dma_wait3A_1077 = arith.constant 0 : i32
    %dma_wait3A_1078 = tpu.memref_slice %arg10[%dma_wait3A_1076, %dma_wait3A_1077] : memref<256x32xf32, #tpu.memory_space<vmem>> -> memref<16x32xf32, #tpu.memory_space<vmem>>
    %dma_wait3A_1079 = arith.constant 0 : i32
    %dma_wait3A_1080 = arith.constant 0 : i32
    %dma_wait3A_1081 = tpu.memref_slice %arg5[%dma_wait3A_1079, %dma_wait3A_1080] : memref<1000000x32xf32, #tpu.memory_space<hbm>> -> memref<1000000x32xf32, #tpu.memory_space<hbm>>
    tpu.wait_indirect_dma semaphore(%arg12 : memref<!tpu.dma_semaphore, #tpu.memory_space<semaphore_mem>>) src(%dma_wait3A_1081 : memref<1000000x32xf32, #tpu.memory_space<hbm>>) dst(%dma_wait3A_1078 : memref<16x32xf32, #tpu.memory_space<vmem>>)
    %dma_wait3A_1082 = arith.constant 240 : i32
    %dma_wait3A_1083 = arith.constant 0 : i32
    %dma_wait3A_1084 = tpu.memref_slice %arg9[%dma_wait3A_1082, %dma_wait3A_1083] : memref<256x32xf32, #tpu.memory_space<vmem>> -> memref<16x32xf32, #tpu.memory_space<vmem>>
    %dma_wait3A_1085 = arith.constant 0 : i32
    %dma_wait3A_1086 = arith.constant 0 : i32
    %dma_wait3A_1087 = tpu.memref_slice %arg4[%dma_wait3A_1085, %dma_wait3A_1086] : memref<1000000x32xf32, #tpu.memory_space<hbm>> -> memref<1000000x32xf32, #tpu.memory_space<hbm>>
    tpu.wait_indirect_dma semaphore(%arg12 : memref<!tpu.dma_semaphore, #tpu.memory_space<semaphore_mem>>) src(%dma_wait3A_1087 : memref<1000000x32xf32, #tpu.memory_space<hbm>>) dst(%dma_wait3A_1084 : memref<16x32xf32, #tpu.memory_space<vmem>>)
    %dma_wait3A_1088 = arith.constant 240 : i32
    %dma_wait3A_1089 = arith.constant 0 : i32
    %dma_wait3A_1090 = tpu.memref_slice %arg10[%dma_wait3A_1088, %dma_wait3A_1089] : memref<256x32xf32, #tpu.memory_space<vmem>> -> memref<16x32xf32, #tpu.memory_space<vmem>>
    %dma_wait3A_1091 = arith.constant 0 : i32
    %dma_wait3A_1092 = arith.constant 0 : i32
    %dma_wait3A_1093 = tpu.memref_slice %arg5[%dma_wait3A_1091, %dma_wait3A_1092] : memref<1000000x32xf32, #tpu.memory_space<hbm>> -> memref<1000000x32xf32, #tpu.memory_space<hbm>>
    tpu.wait_indirect_dma semaphore(%arg12 : memref<!tpu.dma_semaphore, #tpu.memory_space<semaphore_mem>>) src(%dma_wait3A_1093 : memref<1000000x32xf32, #tpu.memory_space<hbm>>) dst(%dma_wait3A_1090 : memref<16x32xf32, #tpu.memory_space<vmem>>)
    %scan3A_1094 = arith.constant 0 : i32
    %scan3A_1095 = arith.constant 256 : i32
    %scan3A_1096 = arith.addi %scan3A_1094, %scan3A_1095 : i32
    %scan3A_1097 = arith.constant 1 : i32
    scf.for %scan3A_1101 = %scan3A_1094 to %scan3A_1096 step %scan3A_1097  : i32 {
      %mul3A_1102 = arith.constant 1 : i32
      %mul3A_1103 = arith.muli %scan3A_1101, %mul3A_1102 : i32
      %add3A_1104 = arith.constant 0 : i32
      %add3A_1105 = arith.addi %add3A_1104, %mul3A_1103 : i32
      %get3A_1106 = arith.index_cast %add3A_1105 : i32 to index
      %get3A_1107 = arith.constant 0 : index
      %get3A_1108 = tpu.vector_load %arg9[%get3A_1106, %get3A_1107] {strides = array<i32>} : memref<256x32xf32, #tpu.memory_space<vmem>>, vector<1x16xf32>,
      %get3A_1109 = vector.shape_cast %get3A_1108 : vector<1x16xf32> to vector<16xf32>
      %swap3A = arith.index_cast %add3A_1105 : i32 to index
      %swap3A_1110 = arith.constant 0 : index
      %swap3A_1111 = tpu.vector_load %arg11[%swap3A, %swap3A_1110] {strides = array<i32>} : memref<256x64xf32, #tpu.memory_space<vmem>>, vector<1x16xf32>,
      %swap3A_1112 = vector.shape_cast %swap3A_1111 : vector<1x16xf32> to vector<16xf32>
      %swap3A_1113 = vector.shape_cast %get3A_1109 : vector<16xf32> to vector<1x16xf32>
      tpu.vector_store %arg11[%swap3A, %swap3A_1110], %swap3A_1113 {strides = array<i32>} : memref<256x64xf32, #tpu.memory_space<vmem>>, vector<1x16xf32>,
      %get3A_1114 = arith.index_cast %add3A_1105 : i32 to index
      %get3A_1115 = arith.constant 16 : index
      %get3A_1116 = tpu.vector_load %arg9[%get3A_1114, %get3A_1115] {strides = array<i32>} : memref<256x32xf32, #tpu.memory_space<vmem>>, vector<1x16xf32>,
      %get3A_1117 = vector.shape_cast %get3A_1116 : vector<1x16xf32> to vector<16xf32>
      %swap3A_1118 = arith.index_cast %add3A_1105 : i32 to index
      %swap3A_1119 = arith.constant 16 : index
      %swap3A_1120 = tpu.vector_load %arg11[%swap3A_1118, %swap3A_1119] {strides = array<i32>} : memref<256x64xf32, #tpu.memory_space<vmem>>, vector<1x16xf32>,
      %swap3A_1121 = vector.shape_cast %swap3A_1120 : vector<1x16xf32> to vector<16xf32>
      %swap3A_1122 = vector.shape_cast %get3A_1117 : vector<16xf32> to vector<1x16xf32>
      tpu.vector_store %arg11[%swap3A_1118, %swap3A_1119], %swap3A_1122 {strides = array<i32>} : memref<256x64xf32, #tpu.memory_space<vmem>>, vector<1x16xf32>,
      %get3A_1123 = arith.index_cast %add3A_1105 : i32 to index
      %get3A_1124 = arith.constant 0 : index
      %get3A_1125 = tpu.vector_load %arg10[%get3A_1123, %get3A_1124] {strides = array<i32>} : memref<256x32xf32, #tpu.memory_space<vmem>>, vector<1x16xf32>,
      %get3A_1126 = vector.shape_cast %get3A_1125 : vector<1x16xf32> to vector<16xf32>
      %swap3A_1127 = arith.index_cast %add3A_1105 : i32 to index
      %swap3A_1128 = arith.constant 32 : index
      %swap3A_1129 = tpu.vector_load %arg11[%swap3A_1127, %swap3A_1128] {strides = array<i32>} : memref<256x64xf32, #tpu.memory_space<vmem>>, vector<1x16xf32>,
      %swap3A_1130 = vector.shape_cast %swap3A_1129 : vector<1x16xf32> to vector<16xf32>
      %swap3A_1131 = vector.shape_cast %get3A_1126 : vector<16xf32> to vector<1x16xf32>
      tpu.vector_store %arg11[%swap3A_1127, %swap3A_1128], %swap3A_1131 {strides = array<i32>} : memref<256x64xf32, #tpu.memory_space<vmem>>, vector<1x16xf32>,
      %get3A_1132 = arith.index_cast %add3A_1105 : i32 to index
      %get3A_1133 = arith.constant 16 : index
      %get3A_1134 = tpu.vector_load %arg10[%get3A_1132, %get3A_1133] {strides = array<i32>} : memref<256x32xf32, #tpu.memory_space<vmem>>, vector<1x16xf32>,
      %get3A_1135 = vector.shape_cast %get3A_1134 : vector<1x16xf32> to vector<16xf32>
      %swap3A_1136 = arith.index_cast %add3A_1105 : i32 to index
      %swap3A_1137 = arith.constant 48 : index
      %swap3A_1138 = tpu.vector_load %arg11[%swap3A_1136, %swap3A_1137] {strides = array<i32>} : memref<256x64xf32, #tpu.memory_space<vmem>>, vector<1x16xf32>,
      %swap3A_1139 = vector.shape_cast %swap3A_1138 : vector<1x16xf32> to vector<16xf32>
      %swap3A_1140 = vector.shape_cast %get3A_1135 : vector<16xf32> to vector<1x16xf32>
      tpu.vector_store %arg11[%swap3A_1136, %swap3A_1137], %swap3A_1140 {strides = array<i32>} : memref<256x64xf32, #tpu.memory_space<vmem>>, vector<1x16xf32>,
    }
    %scan3A_1098 = arith.constant 256 : i32
    %add3A_1099 = arith.constant 256 : i32
    %add3A_1100 = arith.addi %mul3A_2, %add3A_1099 : i32
    "tpu.region"() ({
      %run_scoped3A = tpu.sem_alloc : memref<!tpu.dma_semaphore, #tpu.memory_space<semaphore_mem>>
      %dma_start3A_1101 = arith.constant 0 : i32
      %dma_start3A_1102 = tpu.memref_slice %arg6[%add3A_1100, %dma_start3A_1101] : memref<16384x64xf32, #tpu.memory_space<hbm>> -> memref<256x64xf32, #tpu.memory_space<hbm>>
      %dma_start3A_1103 = arith.constant 0 : i32
      %dma_start3A_1104 = tpu.memref_slice %arg6[%add3A_1100, %dma_start3A_1103] : memref<16384x64xf32, #tpu.memory_space<hbm>> -> memref<256x64xf32, #tpu.memory_space<hbm>>
      tpu.enqueue_dma source(%arg11 : memref<256x64xf32, #tpu.memory_space<vmem>>) target(%dma_start3A_1104 : memref<256x64xf32, #tpu.memory_space<hbm>>) target_semaphore(%run_scoped3A : memref<!tpu.dma_semaphore, #tpu.memory_space<semaphore_mem>>)
      %dma_wait3A_1105 = arith.constant 0 : i32
      %dma_wait3A_1106 = tpu.memref_slice %arg6[%add3A_1100, %dma_wait3A_1105] : memref<16384x64xf32, #tpu.memory_space<hbm>> -> memref<256x64xf32, #tpu.memory_space<hbm>>
      %dma_wait3A_1107 = arith.constant 0 : i32
      %dma_wait3A_1108 = tpu.memref_slice %arg6[%add3A_1100, %dma_wait3A_1107] : memref<16384x64xf32, #tpu.memory_space<hbm>> -> memref<256x64xf32, #tpu.memory_space<hbm>>
      tpu.wait_dma2 semaphore(%run_scoped3A : memref<!tpu.dma_semaphore, #tpu.memory_space<semaphore_mem>>) src(%arg11 : memref<256x64xf32, #tpu.memory_space<vmem>>) dst(%dma_wait3A_1108 : memref<256x64xf32, #tpu.memory_space<hbm>>)
      tpu.yield
    }) : () -> ()
    return
  }
}

</mosaic_0001>

<sc_bundles>
// kernel: kernel.3.cloned.1.call-start
scs
__scs_entry_jumppad:
0x0: {  	(pc) =	sbr.rel $0x88, $3  }
0x1: {  	(tag) =	ssettag $0x0;
	lr =	simm.s32 $0x1  }
0x2: {  	[smem:$0x3F9E] =	sst lr;
	_ =	strace $0xD0000000  }
0x3: {  	_ = 	snop  }
0x4: {  	_ = 	snop  }
0x5: {  	_ = 	snop  }
0x6: {  	_ = 	snop  }
0x7: {  	_ = 	snop  }
__scs_overlays_trampoline_lowered:
0x8: {  	[smem:$0x3FAD] =	sst s0  }
0x9: {  	[smem:$0x3FAE] =	sst s1  }
0xa: {  	[smem:$0x3FAF] =	sst s2  }
0xb: {  	[smem:$0x3FB0] =	sst s3  }
0xc: {  	[smem:$0x3FB1] =	sst s4  }
0xd: {  	[smem:$0x3FB2] =	sst s5  }
0xe: {  	[smem:$0x3FB3] =	sst s6  }
0xf: {  	[smem:$0x3FB4] =	sst s7  }
0x10: {  	[smem:$0x3FB5] =	sst s8  }
0x11: {  	[smem:$0x3FB6] =	sst s9;
	s0 =	simm.s32 @!p0 $0x0  }
0x12: {  	s1 =	sld [smem:$0x3F9C];
	s0 =	simm.s32 @p0 $0x1  }
0x13: {  	[smem:$0x3FB7] =	sst s0;
	s0 =	simm.s32 @!p1 $0x0  }
0x14: {  	s2 =	sld [smem:$0x3F9B];
	s0 =	simm.s32 @p1 $0x1  }
0x15: {  	[smem:$0x3FB8] =	sst s0;
	s0 =	simm.s32 @!p2 $0x0  }
0x16: {  	s3 =	sld [smem:$0x3FDB];
	s0 =	simm.s32 @p2 $0x1  }
0x17: {  	s4 =	simm.s32 $0x1BF5;
	[smem:$0x3FBA] =	sst s0  }
0x18: {  	s0 =	sld [smem:$0x3F9D];
	_ =	swait.ge [sflag:s4], $0x0  }
0x19: {  	s7 =	sld [smem:$0x3F9E]  }
0x1a: {  	s8 =	sadd.s32 $0xFFFFE003, lr  }
0x1b: {  	s9 =	sadd.s32 $0xFFFFFEF7, lr;
	s5 =	simm.s32 $0xFFFFFFFF;
	p2 =	slt.u32 s8, $0xFFFFF086  }
0x1c: {  	p1 =	slt.u32 s9, $0xF7A;
	s5 =	simm.s32 @!p2 $0x0  }
0x1d: {  	s5 =	simm.s32 @p1 $0x1;
	p0 =	seq.s32 s7, s2  }
0x1e: {  	s7 =	smul.u32 @!p0 $0xF7A, s2;
	p2 =	seq.s32 @!p0 s5, $0x0  }
0x1f: {  	s9 =	smul.u32 $0xF7A, s1;
	s8 =	simm.s32 @!p0 $0x1BF5;
	p2 =	por !p2, p0  }
0x20: {  	[sflag:s8] =	ssyncset.s32 @!p0 $0xFFFFF086;
	s6 =	sadd.s32 @!p0 s3, s7;
	s7 =	simm.s32 @!p0 $0x108  }
0x21: {  	s3 =	sadd.s32 s3, s9;
	s6 =	sadd.s32 @!p0 $0x88, s6;
	s7 =	simm.s32 @p2 $0x1082  }
0x22: {  	[simem:s7], [sflag:s8] =	dma.local @!p0 [hbm:s6], $0xF7A  }
0x23: {  	s9 =	sor.u32 $0xD0000000, s2;
	s6 =	simm.s32 $0x108;
	_ =	swait.ge @!p0 [sflag:s8], $0x0  }
0x24: {  	s3 =	sadd.s32 $0x88, s3;
	s6 =	simm.s32 @!p1 $0x1082;
	[sflag:s4] =	ssyncset.s32 $0xFFFFF086  }
0x25: {  	[simem:s6], [sflag:s4] =	dma.local [hbm:s3], $0xF7A  }
0x26: {  	[smem:$0x3F9E] =	sst s1;
	(tag) =	ssettag s2;
	_ =	strace s9  }
0x27: {  	s1 =	sld [smem:$0x3FAE]  }
0x28: {  	s2 =	sld [smem:$0x3FAF]  }
0x29: {  	s4 =	sld [smem:$0x3FB1]  }
0x2a: {  	p0 =	seq.s32 s5, $0x0;
	s5 =	sld [smem:$0x3FB2]  }
0x2b: {  	s6 =	sld [smem:$0x3FB3]  }
0x2c: {  	s7 =	sld [smem:$0x3FB4]  }
0x2d: {  	s3 =	simm.s32 $0x108;
	s8 =	sld [smem:$0x3FB5]  }
0x2e: {  	s3 =	simm.s32 @!p0 $0x1082;
	s9 =	sld [smem:$0x3FB6]  }
0x2f: {  	lr =	sadd.s32 s0, s3;
	s0 =	sld [smem:$0x3FAD]  }
0x30: {  	s3 =	sld [smem:$0x3FB0]  }
0x31: {  	[smem:$0x3FB9] =	sst s10  }
0x32: {  	s10 =	sld [smem:$0x3FB7];
	_ =	sdelay $0x3  }
0x33: {  	p0 =	seq.s32 s10, $0x1;
	s10 =	sld [smem:$0x3FB9];
	_ =	sdelay $0x3  }
0x34: {  	[smem:$0x3FB9] =	sst s10  }
0x35: {  	s10 =	sld [smem:$0x3FB8];
	_ =	sdelay $0x3  }
0x36: {  	p1 =	seq.s32 s10, $0x1;
	s10 =	sld [smem:$0x3FB9];
	_ =	sdelay $0x3  }
0x37: {  	[smem:$0x3FB9] =	sst s10  }
0x38: {  	s10 =	sld [smem:$0x3FBA]  }
0x39: {  	_ = 	snop;
	(pc) =	sbr.ind lr, $3  }
0x3a: {  	_ = 	snop  }
0x3b: {  	_ = 	snop  }
0x3c: {  	p2 =	seq.s32 s10, $0x1;
	s10 =	sld [smem:$0x3FB9]  }
0x3d: {  	_ =	shalt  }
0x3e: {  	_ =	shalt  }
0x3f: {  	_ =	shalt  }
0x40: {  	_ =	shalt  }
0x41: {  	_ =	shalt  }
0x42: {  	_ =	shalt  }
0x43: {  	_ =	shalt  }
0x44: {  	_ =	shalt  }
0x45: {  	_ =	shalt  }
0x46: {  	_ =	shalt  }
0x47: {  	_ =	shalt  }
0x48: {  	_ =	shalt  }
0x49: {  	_ =	shalt  }
0x4a: {  	_ =	shalt  }
0x4b: {  	_ =	shalt  }
0x4c: {  	_ =	shalt  }
0x4d: {  	_ =	shalt  }
0x4e: {  	_ =	shalt  }
0x4f: {  	_ =	shalt  }
0x50: {  	_ =	shalt  }
0x51: {  	_ =	shalt  }
0x52: {  	_ =	shalt  }
0x53: {  	_ =	shalt  }
0x54: {  	_ =	shalt  }
0x55: {  	_ =	shalt  }
0x56: {  	_ =	shalt  }
0x57: {  	_ =	shalt  }
0x58: {  	_ =	shalt  }
0x59: {  	_ =	shalt  }
0x5a: {  	_ =	shalt  }
0x5b: {  	_ =	shalt  }
0x5c: {  	_ =	shalt  }
0x5d: {  	_ =	shalt  }
0x5e: {  	_ =	shalt  }
0x5f: {  	_ =	shalt  }
0x60: {  	_ =	shalt  }
0x61: {  	_ =	shalt  }
0x62: {  	_ =	shalt  }
0x63: {  	_ =	shalt  }
0x64: {  	_ =	shalt  }
0x65: {  	_ =	shalt  }
0x66: {  	_ =	shalt  }
0x67: {  	_ =	shalt  }
0x68: {  	_ =	shalt  }
0x69: {  	_ =	shalt  }
0x6a: {  	_ =	shalt  }
0x6b: {  	_ =	shalt  }
0x6c: {  	_ =	shalt  }
0x6d: {  	_ =	shalt  }
0x6e: {  	_ =	shalt  }
0x6f: {  	_ =	shalt  }
0x70: {  	_ =	shalt  }
0x71: {  	_ =	shalt  }
0x72: {  	_ =	shalt  }
0x73: {  	_ =	shalt  }
0x74: {  	_ =	shalt  }
0x75: {  	_ =	shalt  }
0x76: {  	_ =	shalt  }
0x77: {  	_ =	shalt  }
0x78: {  	_ =	shalt  }
0x79: {  	_ =	shalt  }
0x7a: {  	_ =	shalt  }
0x7b: {  	_ =	shalt  }
0x7c: {  	_ =	shalt  }
0x7d: {  	_ =	shalt  }
0x7e: {  	_ =	shalt  }
0x7f: {  	_ =	shalt  }
0x80: {  	_ =	shalt  }
0x81: {  	_ =	shalt  }
0x82: {  	_ =	shalt  }
0x83: {  	_ =	shalt  }
0x84: {  	_ =	shalt  }
0x85: {  	_ =	shalt  }
0x86: {  	_ =	shalt  }
0x87: {  	_ =	shalt  }
.Lfunc_end0:
.L_simem_size_0:
called_computation_lowered:
.L_overlay_start_0:
0x88: {  	s2 =	sld [smem:$0x3FD9]  }
0x89: {  	s3 =	sld [smem:$0x3FFE];
	_ =	sdelay $0x1  }
0x8a: {  	s1 =	srdreg.scid  }
0x8b: {  	s0 =	sand.u32 $0x1, s1  }
0x8c: {  	s17 =	sshll.u32 s0, $0xA;
	s2 =	sadd.s32 s3, s2  }
0x8d: {  	s2 =	sadd.s32 s2, s17  }
0x8e: {  	[smem:$0x3FC5] =	sst s2  }
0x8f: {  	_ = 	snop  }
0x90: {  	s2 =	sld [smem:$0x3FD0];
	(tm) =	ssettm $0x1  }
0x91: {  	s18 =	sld [smem:$0x3FFB];
	_ =	sdelay $0x3  }
0x92: {  	_ =	strace s18  }
0x93: {  	s3 =	sld [smem:$0x3FFC];
	_ =	sdelay $0x3  }
0x94: {  	_ =	strace s3  }
0x95: {  	s3 =	sld [smem:$0x3FFD];
	_ =	sdelay $0x3  }
0x96: {  	_ =	strace s3  }
0x97: {  	_ =	strace $0x8FFFFFFF  }
0x98: {  	s19 =	sld [smem:$0x3FDB];
	_ =	sdelay $0x1  }
0x99: {  	s4 =	simm.s32 $_scs_section_size  }
0x9a: {  	s5 =	simm.s32 $_size__tile_overlayer_lowered;
	s6 =	simm.s32 $_tile_overlayer_lowered  }
0x9b: {  	s22 =	simm.s32 $0x1BFF;
	s21 =	sshll.u32 s6, $0x1;
	s3 =	sadd.s32 s4, s19  }
0x9c: {  	s7 =	simm.s32 $0x0;
	s20 =	sshll.u32 s5, $0x1;
	s5 =	sadd.s32 s21, s3  }
0x9d: {  	[timem:s7], [sflag:s22] =	dma.local [hbm:s5], s20  }
0x9e: {  	_ =	swait.ge [sflag:s22], s20  }
0x9f: {  	s4 =	ssub.s32 $0x0, s20;
	[sflag:s22] =	ssyncset.done $0x0  }
0xa0: {  	[sflag:s22] =	ssyncadd.s32 s4;
	_ =	sdelay $0x1  }
0xa1: {  	s23 =	simm.s32 $0x1B8B  }
0xa2: {  	_ =	swait.ge [sflag:s23], $0x1  }
0xa3: {  	[sflag:s23] =	ssyncset.done $0x0  }
0xa4: {  	s25 =	simm.s32 $0x1B8E;
	s24 =	sld [smem:$0x3FFE];
	[sflag:s23] =	ssyncadd.s32 $0xFFFFFFFF  }
0xa5: {  	s26 =	simm.s32 $execute0_lowered;
	[smem:$0x3FD2] =	sst s25  }
0xa6: {  	s5 =	sshll.u32 s26, $0x1;
	_ =	strace $0x80000046;
	[dreg:$0x1] =	wrdreg $0xFFFFFFFF  }
0xa7: {  	s28 =	simm.s32 $_size_execute0_lowered;
	s3 =	sadd.s32 s3, s5;
	[dreg:$0x0] =	wrdreg $0x0  }
0xa8: {  	s5 =	sshll.u32 s28, $0x1;
	[dreg:$0x2] =	wrdreg s3  }
0xa9: {  	[dreg:$0x3] =	wrdreg s5  }
0xaa: {  	[dreg:$0x4] =	wrdreg $0xC0  }
0xab: {  	_ =	task [dreg:s7], $0x5FFFF  }
0xac: {  	[dreg:$0x1] =	wrdreg $0xFFFFFFFF  }
0xad: {  	[dreg:$0x0] =	wrdreg $0x60  }
0xae: {  	[dreg:$0x2] =	wrdreg s24  }
0xaf: {  	[dreg:$0x3] =	wrdreg s2  }
0xb0: {  	[dreg:$0x4] =	wrdreg $0x9  }
0xb1: {  	_ =	task.clear_ibuf [dreg:s7], $0x5FFFF;
	_ =	strace $0x90000046  }
0xb2: {  	s29 =	simm.s32 $0x9;
	_ =	strace $0x80000048  }
0xb3: {  	_ =	swait.ge [sflag:s29], $0x1  }
0xb4: {  	[sflag:s29] =	ssyncadd.s32 $0xFFFFFFFF  }
0xb5: {  	_ =	strace $0x90000048  }
0xb6: {  	_ =	sfence  }
0xb7: {  	s30 =	sld [smem:$0x0];
	_ =	sdelay $0x2  }
0xb8: {  	s31 =	sshll.u32 s1, $0xD;
	s1 =	sshrl.u32 s1, $0x2  }
0xb9: {  	s3 =	sand.u32 $0x4000, s31;
	s1 =	sadd.s32 s1, s30  }
0xba: {  	s0 =	sor.u32 s3, s0;
	s1 =	sshll.u32 s1, $0x11  }
0xbb: {  	s0 =	sor.u32 s1, s0  }
0xbc: {  	s0 =	sadd.s32 $0x8F2B, s0  }
0xbd: {  	[sflag:s0] =	ssyncadd.remote.s32 $0x1  }
0xbe: {  	_ =	sfence.sel $0xFFFF  }
0xbf: {  	[dreg:$0x0] =	wrdreg $0xFFFFFFFF;
	(pc) =	sbr.abs _section_cstart, $3  }
0xc0: {  	[dreg:$0x1] =	wrdreg $0xFFFFFFFF  }
0xc1: {  	_ =	task.clear_ibuf [dreg:s7], $0x2FFFF;
	_ =	strace $0x9FFFFFFF  }
0xc2: {  	(tm) =	ssettm $0x7FFFFFFF  }
0xc3: {  	_ =	shalt  }
tec
execute0_lowered:
.L_overlay_start_1:
0x0: {  	(tag) =	ssettag $0x1  }
0x1: {  	s0 =	rddreg [dreg:$0x0]  }
0x2: {  	s1 =	rddreg [dreg:$0x1]  }
0x3: {  	s2 =	srdreg.scid;
	s4 =	stileid.u32  }
0x4: {  	s10 =	simm.s32 $0x2;
	s28 =	simm.s32 $0x3200;
	s29 =	simm.s32 $0x1400  }
0x5: {  	s30 =	simm.s32 $0x3400;
	s31 =	simm.s32 $0x1600;
	s11 =	simm.s32 $0x3800  }
0x6: {  	s12 =	simm.s32 $0x1A00;
	s13 =	simm.s32 $0x3A00;
	s14 =	simm.s32 $0x3C00  }
0x7: {  	s15 =	simm.s32 $0x3E00;
	s16 =	simm.s32 $0x2000;
	s9 =	simm.s32 $0x2200  }
0x8: {  	s17 =	simm.s32 $0x4200;
	s18 =	simm.s32 $0x1;
	s19 =	simm.s32 $0x4400  }
0x9: {  	s20 =	simm.s32 $0x0;
	s3 =	sand.u32 $0x1, s2;
	s2 =	simm.s32 $0x0  }
0xa: {  	s4 =	sshll.u32 s4, $0xA;
	s5 =	sshll.u32 s3, $0x9;
	[smem:$0x7FF] =	sst s2  }
0xb: {  	s6 =	ssub.s32 $0x2, s3;
	s3 =	sadd.s32 $0xF43A00, s0;
	s5 =	sor.u32 s5, s4  }
0xc: {  	_ =	strace $0x80000047;
	s8 =	sshrl.u32 s6, $0x1;
	s4 =	sshrl.u32 s5, $0x3  }
0xd: {  	s24 =	ssub.s32 s6, s8;
	s5 =	sshll.u32 s5, $0x3;
	s6 =	simm.s32 $0x1E00  }
0xe: {  	s8 =	simm.s32 $0x4000;
	s7 =	sadd.s32 s4, s0;
	s4 =	sadd.s32 $0x1314400, s0  }
0xf: {  	s0 =	smax.u32 s24, $0x1;
	s24 =	simm.s32 $0x1000;
	s25 =	sadd.s32 $0xE00, s7  }
0x10: {  	s26 =	sadd.s32 $0x600, s7;
	s7 =	sadd.s32 s1, s5;
	[dreg:$0x6] =	wrdreg s0  }
0x11: {  	s0 =	simm.s32 $0x3600;
	s5 =	simm.s32 $0x1C00;
	[dreg:$0x3] =	wrdreg s25  }
0x12: {  	[dreg:$0x4] =	wrdreg s26;
	s1 =	sadd.s32 $0x800, s7;
	s25 =	simm.s32 $0x3000  }
0x13: {  	vm0 =	vmmov $0xffff;
	s26 =	simm.s32 $0x1200;
	[dreg:$0x5] =	wrdreg s1;
	s1 =	simm.s32 $0x1800  }
.LBB2_1:
0x14: {  	s21 =	rddreg [dreg:$0x3]  }
0x15: {  	[tilespmem:s2], [sflag:$0x2] =	stream.linear.gather [hbm4b:s21+s2], $0x200, $0x38;
	[tilespmem:$0x8400] =	vst v63  }
0x16: {  	_ =	swait.ge [sflag:s10], $0x200  }
0x17: {  	[sflag:s10] =	ssyncset.done $0x0  }
0x18: {  	s22 =	simm.s32 $0x200;
	s23 =	rddreg [dreg:$0x4];
	[sflag:s10] =	ssyncadd.s32 $0xFFFFFE00  }
0x19: {  	[tilespmem:s22], [sflag:$0x2] =	stream.linear.gather [hbm4b:s23+s2], $0x200, $0x38;
	[tilespmem:$0x8400] =	vst v63  }
0x1a: {  	_ =	swait.ge [sflag:s10], $0x200  }
0x1b: {  	[sflag:s10] =	ssyncset.done $0x0  }
0x1c: {  	[sflag:s10] =	ssyncadd.s32 $0xFFFFFE00  }
0x1d: {  	v0 =	vld [tilespmem:$0x0];
	_ =	sdelay $0x1  }
0x1e: {  	v1 =	vld [tilespmem:$0x200];
	_ =	sdelay $0x4  }
0x1f: {  	s23 =	simm.s32 $0x400  }
0x20: {  	[tilespmem:s23], [sflag:$0x1] =	stream.indirect_vreg.gather [hbm4b:s3+s2], $0x20, v0, vm0, $0xb8;
	[tilespmem:$0x8400] =	vst v63  }
0x21: {  	s22 =	simm.s32 $0x2400  }
0x22: {  	[tilespmem:s22], [sflag:$0x1] =	stream.indirect_vreg.gather [hbm4b:s4+s2], $0x20, v1, vm0, $0xb8;
	[tilespmem:$0x8400] =	vst v63  }
0x23: {  	v0 =	vld [tilespmem:$0x10];
	_ =	sdelay $0x1  }
0x24: {  	v1 =	vld [tilespmem:$0x210];
	_ =	sdelay $0x4  }
0x25: {  	s23 =	simm.s32 $0x600  }
0x26: {  	[tilespmem:s23], [sflag:$0x1] =	stream.indirect_vreg.gather [hbm4b:s3+s2], $0x20, v0, vm0, $0xb8;
	[tilespmem:$0x8400] =	vst v63  }
0x27: {  	s22 =	simm.s32 $0x2600  }
0x28: {  	[tilespmem:s22], [sflag:$0x1] =	stream.indirect_vreg.gather [hbm4b:s4+s2], $0x20, v1, vm0, $0xb8;
	[tilespmem:$0x8400] =	vst v63  }
0x29: {  	v0 =	vld [tilespmem:$0x20];
	_ =	sdelay $0x1  }
0x2a: {  	v1 =	vld [tilespmem:$0x220];
	_ =	sdelay $0x4  }
0x2b: {  	s23 =	simm.s32 $0x800  }
0x2c: {  	[tilespmem:s23], [sflag:$0x1] =	stream.indirect_vreg.gather [hbm4b:s3+s2], $0x20, v0, vm0, $0xb8;
	[tilespmem:$0x8400] =	vst v63  }
0x2d: {  	s22 =	simm.s32 $0x2800  }
0x2e: {  	[tilespmem:s22], [sflag:$0x1] =	stream.indirect_vreg.gather [hbm4b:s4+s2], $0x20, v1, vm0, $0xb8;
	[tilespmem:$0x8400] =	vst v63  }
0x2f: {  	v0 =	vld [tilespmem:$0x30];
	_ =	sdelay $0x1  }
0x30: {  	v1 =	vld [tilespmem:$0x230];
	_ =	sdelay $0x4  }
0x31: {  	s23 =	simm.s32 $0xA00  }
0x32: {  	[tilespmem:s23], [sflag:$0x1] =	stream.indirect_vreg.gather [hbm4b:s3+s2], $0x20, v0, vm0, $0xb8;
	[tilespmem:$0x8400] =	vst v63  }
0x33: {  	s22 =	simm.s32 $0x2A00  }
0x34: {  	[tilespmem:s22], [sflag:$0x1] =	stream.indirect_vreg.gather [hbm4b:s4+s2], $0x20, v1, vm0, $0xb8;
	[tilespmem:$0x8400] =	vst v63  }
0x35: {  	v0 =	vld [tilespmem:$0x40];
	_ =	sdelay $0x1  }
0x36: {  	v1 =	vld [tilespmem:$0x240];
	_ =	sdelay $0x4  }
0x37: {  	s23 =	simm.s32 $0xC00  }
0x38: {  	[tilespmem:s23], [sflag:$0x1] =	stream.indirect_vreg.gather [hbm4b:s3+s2], $0x20, v0, vm0, $0xb8;
	[tilespmem:$0x8400] =	vst v63  }
0x39: {  	s22 =	simm.s32 $0x2C00  }
0x3a: {  	[tilespmem:s22], [sflag:$0x1] =	stream.indirect_vreg.gather [hbm4b:s4+s2], $0x20, v1, vm0, $0xb8;
	[tilespmem:$0x8400] =	vst v63  }
0x3b: {  	v0 =	vld [tilespmem:$0x50];
	_ =	sdelay $0x1  }
0x3c: {  	v1 =	vld [tilespmem:$0x250];
	_ =	sdelay $0x4  }
0x3d: {  	s23 =	simm.s32 $0xE00  }
0x3e: {  	[tilespmem:s23], [sflag:$0x1] =	stream.indirect_vreg.gather [hbm4b:s3+s2], $0x20, v0, vm0, $0xb8;
	[tilespmem:$0x8400] =	vst v63  }
0x3f: {  	s22 =	simm.s32 $0x2E00  }
0x40: {  	[tilespmem:s22], [sflag:$0x1] =	stream.indirect_vreg.gather [hbm4b:s4+s2], $0x20, v1, vm0, $0xb8;
	[tilespmem:$0x8400] =	vst v63  }
0x41: {  	v0 =	vld [tilespmem:$0x60];
	_ =	sdelay $0x1  }
0x42: {  	v1 =	vld [tilespmem:$0x260];
	_ =	sdelay $0x5  }
0x43: {  	[tilespmem:s24], [sflag:$0x1] =	stream.indirect_vreg.gather [hbm4b:s3+s2], $0x20, v0, vm0, $0xb8;
	[tilespmem:$0x8400] =	vst v63  }
0x44: {  	_ = 	snop  }
0x45: {  	[tilespmem:s25], [sflag:$0x1] =	stream.indirect_vreg.gather [hbm4b:s4+s2], $0x20, v1, vm0, $0xb8;
	[tilespmem:$0x8400] =	vst v63  }
0x46: {  	v0 =	vld [tilespmem:$0x70];
	_ =	sdelay $0x1  }
0x47: {  	v1 =	vld [tilespmem:$0x270];
	_ =	sdelay $0x5  }
0x48: {  	[tilespmem:s26], [sflag:$0x1] =	stream.indirect_vreg.gather [hbm4b:s3+s2], $0x20, v0, vm0, $0xb8;
	[tilespmem:$0x8400] =	vst v63  }
0x49: {  	_ = 	snop  }
0x4a: {  	[tilespmem:s28], [sflag:$0x1] =	stream.indirect_vreg.gather [hbm4b:s4+s2], $0x20, v1, vm0, $0xb8;
	[tilespmem:$0x8400] =	vst v63  }
0x4b: {  	v0 =	vld [tilespmem:$0x80];
	_ =	sdelay $0x1  }
0x4c: {  	v1 =	vld [tilespmem:$0x280];
	_ =	sdelay $0x5  }
0x4d: {  	[tilespmem:s29], [sflag:$0x1] =	stream.indirect_vreg.gather [hbm4b:s3+s2], $0x20, v0, vm0, $0xb8;
	[tilespmem:$0x8400] =	vst v63  }
0x4e: {  	_ = 	snop  }
0x4f: {  	[tilespmem:s30], [sflag:$0x1] =	stream.indirect_vreg.gather [hbm4b:s4+s2], $0x20, v1, vm0, $0xb8;
	[tilespmem:$0x8400] =	vst v63  }
0x50: {  	v0 =	vld [tilespmem:$0x90];
	_ =	sdelay $0x1  }
0x51: {  	v1 =	vld [tilespmem:$0x290];
	_ =	sdelay $0x5  }
0x52: {  	[tilespmem:s31], [sflag:$0x1] =	stream.indirect_vreg.gather [hbm4b:s3+s2], $0x20, v0, vm0, $0xb8;
	[tilespmem:$0x8400] =	vst v63  }
0x53: {  	_ = 	snop  }
0x54: {  	[tilespmem:s0], [sflag:$0x1] =	stream.indirect_vreg.gather [hbm4b:s4+s2], $0x20, v1, vm0, $0xb8;
	[tilespmem:$0x8400] =	vst v63  }
0x55: {  	v0 =	vld [tilespmem:$0xA0];
	_ =	sdelay $0x1  }
0x56: {  	v1 =	vld [tilespmem:$0x2A0];
	_ =	sdelay $0x5  }
0x57: {  	[tilespmem:s1], [sflag:$0x1] =	stream.indirect_vreg.gather [hbm4b:s3+s2], $0x20, v0, vm0, $0xb8;
	[tilespmem:$0x8400] =	vst v63  }
0x58: {  	_ = 	snop  }
0x59: {  	[tilespmem:s11], [sflag:$0x1] =	stream.indirect_vreg.gather [hbm4b:s4+s2], $0x20, v1, vm0, $0xb8;
	[tilespmem:$0x8400] =	vst v63  }
0x5a: {  	v0 =	vld [tilespmem:$0xB0];
	_ =	sdelay $0x1  }
0x5b: {  	v1 =	vld [tilespmem:$0x2B0];
	_ =	sdelay $0x5  }
0x5c: {  	[tilespmem:s12], [sflag:$0x1] =	stream.indirect_vreg.gather [hbm4b:s3+s2], $0x20, v0, vm0, $0xb8;
	[tilespmem:$0x8400] =	vst v63  }
0x5d: {  	_ = 	snop  }
0x5e: {  	[tilespmem:s13], [sflag:$0x1] =	stream.indirect_vreg.gather [hbm4b:s4+s2], $0x20, v1, vm0, $0xb8;
	[tilespmem:$0x8400] =	vst v63  }
0x5f: {  	v0 =	vld [tilespmem:$0xC0];
	_ =	sdelay $0x1  }
0x60: {  	v1 =	vld [tilespmem:$0x2C0];
	_ =	sdelay $0x5  }
0x61: {  	[tilespmem:s5], [sflag:$0x1] =	stream.indirect_vreg.gather [hbm4b:s3+s2], $0x20, v0, vm0, $0xb8;
	[tilespmem:$0x8400] =	vst v63  }
0x62: {  	_ = 	snop  }
0x63: {  	[tilespmem:s14], [sflag:$0x1] =	stream.indirect_vreg.gather [hbm4b:s4+s2], $0x20, v1, vm0, $0xb8;
	[tilespmem:$0x8400] =	vst v63  }
0x64: {  	v0 =	vld [tilespmem:$0xD0];
	_ =	sdelay $0x1  }
0x65: {  	v1 =	vld [tilespmem:$0x2D0];
	_ =	sdelay $0x5  }
0x66: {  	[tilespmem:s6], [sflag:$0x1] =	stream.indirect_vreg.gather [hbm4b:s3+s2], $0x20, v0, vm0, $0xb8;
	[tilespmem:$0x8400] =	vst v63  }
0x67: {  	_ = 	snop  }
0x68: {  	[tilespmem:s15], [sflag:$0x1] =	stream.indirect_vreg.gather [hbm4b:s4+s2], $0x20, v1, vm0, $0xb8;
	[tilespmem:$0x8400] =	vst v63  }
0x69: {  	v0 =	vld [tilespmem:$0xE0];
	_ =	sdelay $0x1  }
0x6a: {  	v1 =	vld [tilespmem:$0x2E0];
	_ =	sdelay $0x5  }
0x6b: {  	[tilespmem:s16], [sflag:$0x1] =	stream.indirect_vreg.gather [hbm4b:s3+s2], $0x20, v0, vm0, $0xb8;
	[tilespmem:$0x8400] =	vst v63  }
0x6c: {  	_ = 	snop  }
0x6d: {  	[tilespmem:s8], [sflag:$0x1] =	stream.indirect_vreg.gather [hbm4b:s4+s2], $0x20, v1, vm0, $0xb8;
	[tilespmem:$0x8400] =	vst v63  }
0x6e: {  	v0 =	vld [tilespmem:$0xF0];
	_ =	sdelay $0x1  }
0x6f: {  	v1 =	vld [tilespmem:$0x2F0];
	_ =	sdelay $0x5  }
0x70: {  	[tilespmem:s9], [sflag:$0x1] =	stream.indirect_vreg.gather [hbm4b:s3+s2], $0x20, v0, vm0, $0xb8;
	[tilespmem:$0x8400] =	vst v63  }
0x71: {  	_ = 	snop  }
0x72: {  	[tilespmem:s17], [sflag:$0x1] =	stream.indirect_vreg.gather [hbm4b:s4+s2], $0x20, v1, vm0, $0xb8;
	[tilespmem:$0x8400] =	vst v63  }
0x73: {  	_ =	swait.ge [sflag:s18], $0x200  }
0x74: {  	[sflag:s18] =	ssyncset.done $0x0  }
0x75: {  	[sflag:s18] =	ssyncadd.s32 $0xFFFFFE00  }
0x76: {  	_ =	swait.ge [sflag:s18], $0x200  }
0x77: {  	[sflag:s18] =	ssyncset.done $0x0  }
0x78: {  	[sflag:s18] =	ssyncadd.s32 $0xFFFFFE00  }
0x79: {  	_ =	swait.ge [sflag:s18], $0x200  }
0x7a: {  	[sflag:s18] =	ssyncset.done $0x0  }
0x7b: {  	[sflag:s18] =	ssyncadd.s32 $0xFFFFFE00  }
0x7c: {  	_ =	swait.ge [sflag:s18], $0x200  }
0x7d: {  	[sflag:s18] =	ssyncset.done $0x0  }
0x7e: {  	[sflag:s18] =	ssyncadd.s32 $0xFFFFFE00  }
0x7f: {  	_ =	swait.ge [sflag:s18], $0x200  }
0x80: {  	[sflag:s18] =	ssyncset.done $0x0  }
0x81: {  	[sflag:s18] =	ssyncadd.s32 $0xFFFFFE00  }
0x82: {  	_ =	swait.ge [sflag:s18], $0x200  }
0x83: {  	[sflag:s18] =	ssyncset.done $0x0  }
0x84: {  	[sflag:s18] =	ssyncadd.s32 $0xFFFFFE00  }
0x85: {  	_ =	swait.ge [sflag:s18], $0x200  }
0x86: {  	[sflag:s18] =	ssyncset.done $0x0  }
0x87: {  	[sflag:s18] =	ssyncadd.s32 $0xFFFFFE00  }
0x88: {  	_ =	swait.ge [sflag:s18], $0x200  }
0x89: {  	[sflag:s18] =	ssyncset.done $0x0  }
0x8a: {  	[sflag:s18] =	ssyncadd.s32 $0xFFFFFE00  }
0x8b: {  	_ =	swait.ge [sflag:s18], $0x200  }
0x8c: {  	[sflag:s18] =	ssyncset.done $0x0  }
0x8d: {  	[sflag:s18] =	ssyncadd.s32 $0xFFFFFE00  }
0x8e: {  	_ =	swait.ge [sflag:s18], $0x200  }
0x8f: {  	[sflag:s18] =	ssyncset.done $0x0  }
0x90: {  	[sflag:s18] =	ssyncadd.s32 $0xFFFFFE00  }
0x91: {  	_ =	swait.ge [sflag:s18], $0x200  }
0x92: {  	[sflag:s18] =	ssyncset.done $0x0  }
0x93: {  	[sflag:s18] =	ssyncadd.s32 $0xFFFFFE00  }
0x94: {  	_ =	swait.ge [sflag:s18], $0x200  }
0x95: {  	[sflag:s18] =	ssyncset.done $0x0  }
0x96: {  	[sflag:s18] =	ssyncadd.s32 $0xFFFFFE00  }
0x97: {  	_ =	swait.ge [sflag:s18], $0x200  }
0x98: {  	[sflag:s18] =	ssyncset.done $0x0  }
0x99: {  	[sflag:s18] =	ssyncadd.s32 $0xFFFFFE00  }
0x9a: {  	_ =	swait.ge [sflag:s18], $0x200  }
0x9b: {  	[sflag:s18] =	ssyncset.done $0x0  }
0x9c: {  	[sflag:s18] =	ssyncadd.s32 $0xFFFFFE00  }
0x9d: {  	_ =	swait.ge [sflag:s18], $0x200  }
0x9e: {  	[sflag:s18] =	ssyncset.done $0x0  }
0x9f: {  	[sflag:s18] =	ssyncadd.s32 $0xFFFFFE00  }
0xa0: {  	_ =	swait.ge [sflag:s18], $0x200  }
0xa1: {  	[sflag:s18] =	ssyncset.done $0x0  }
0xa2: {  	[sflag:s18] =	ssyncadd.s32 $0xFFFFFE00  }
0xa3: {  	_ =	swait.ge [sflag:s18], $0x200  }
0xa4: {  	[sflag:s18] =	ssyncset.done $0x0  }
0xa5: {  	[sflag:s18] =	ssyncadd.s32 $0xFFFFFE00  }
0xa6: {  	_ =	swait.ge [sflag:s18], $0x200  }
0xa7: {  	[sflag:s18] =	ssyncset.done $0x0  }
0xa8: {  	[sflag:s18] =	ssyncadd.s32 $0xFFFFFE00  }
0xa9: {  	_ =	swait.ge [sflag:s18], $0x200  }
0xaa: {  	[sflag:s18] =	ssyncset.done $0x0  }
0xab: {  	[sflag:s18] =	ssyncadd.s32 $0xFFFFFE00  }
0xac: {  	_ =	swait.ge [sflag:s18], $0x200  }
0xad: {  	[sflag:s18] =	ssyncset.done $0x0  }
0xae: {  	[sflag:s18] =	ssyncadd.s32 $0xFFFFFE00  }
0xaf: {  	_ =	swait.ge [sflag:s18], $0x200  }
0xb0: {  	[sflag:s18] =	ssyncset.done $0x0  }
0xb1: {  	[sflag:s18] =	ssyncadd.s32 $0xFFFFFE00  }
0xb2: {  	_ =	swait.ge [sflag:s18], $0x200  }
0xb3: {  	[sflag:s18] =	ssyncset.done $0x0  }
0xb4: {  	[sflag:s18] =	ssyncadd.s32 $0xFFFFFE00  }
0xb5: {  	_ =	swait.ge [sflag:s18], $0x200  }
0xb6: {  	[sflag:s18] =	ssyncset.done $0x0  }
0xb7: {  	[sflag:s18] =	ssyncadd.s32 $0xFFFFFE00  }
0xb8: {  	_ =	swait.ge [sflag:s18], $0x200  }
0xb9: {  	[sflag:s18] =	ssyncset.done $0x0  }
0xba: {  	[sflag:s18] =	ssyncadd.s32 $0xFFFFFE00  }
0xbb: {  	_ =	swait.ge [sflag:s18], $0x200  }
0xbc: {  	[sflag:s18] =	ssyncset.done $0x0  }
0xbd: {  	[sflag:s18] =	ssyncadd.s32 $0xFFFFFE00  }
0xbe: {  	_ =	swait.ge [sflag:s18], $0x200  }
0xbf: {  	[sflag:s18] =	ssyncset.done $0x0  }
0xc0: {  	[sflag:s18] =	ssyncadd.s32 $0xFFFFFE00  }
0xc1: {  	_ =	swait.ge [sflag:s18], $0x200  }
0xc2: {  	[sflag:s18] =	ssyncset.done $0x0  }
0xc3: {  	[sflag:s18] =	ssyncadd.s32 $0xFFFFFE00  }
0xc4: {  	_ =	swait.ge [sflag:s18], $0x200  }
0xc5: {  	[sflag:s18] =	ssyncset.done $0x0  }
0xc6: {  	[sflag:s18] =	ssyncadd.s32 $0xFFFFFE00  }
0xc7: {  	_ =	swait.ge [sflag:s18], $0x200  }
0xc8: {  	[sflag:s18] =	ssyncset.done $0x0  }
0xc9: {  	[sflag:s18] =	ssyncadd.s32 $0xFFFFFE00  }
0xca: {  	_ =	swait.ge [sflag:s18], $0x200  }
0xcb: {  	[sflag:s18] =	ssyncset.done $0x0  }
0xcc: {  	[sflag:s18] =	ssyncadd.s32 $0xFFFFFE00  }
0xcd: {  	_ =	swait.ge [sflag:s18], $0x200  }
0xce: {  	[sflag:s18] =	ssyncset.done $0x0  }
0xcf: {  	[sflag:s18] =	ssyncadd.s32 $0xFFFFFE00  }
0xd0: {  	_ =	swait.ge [sflag:s18], $0x200  }
0xd1: {  	[sflag:s18] =	ssyncset.done $0x0  }
0xd2: {  	s23 =	simm.s32 $0x0;
	[sflag:s18] =	ssyncadd.s32 $0xFFFFFE00  }
0xd3: {  	v63 =	vld [tilespmem:s23+$0x400];
	_ =	sdelay $0x3  }
0xd4: {  	s21 =	simm.s32 $0x4420  }
0xd5: {  	[tilespmem:s21+$0xFFFFFFE0] =	vst v63  }
0xd6: {  	v0 =	vld [tilespmem:s23+$0x410];
	_ =	sdelay $0x4  }
0xd7: {  	[tilespmem:s21+$0xFFFFFFF0] =	vst v0  }
0xd8: {  	v0 =	vld [tilespmem:s23+$0x2400];
	_ =	sdelay $0x4  }
0xd9: {  	[tilespmem:s21+$0x0] =	vst v0  }
0xda: {  	v0 =	vld [tilespmem:s23+$0x2410];
	_ =	sdelay $0x4  }
0xdb: {  	s22 =	simm.s32 $0x20;
	s23 =	simm.s32 $0x100;
	[tilespmem:s21+$0x10] =	vst v0  }
.LBB2_2:
0xdc: {  	p0 =	sne.s32 s23, $0x7F80;
	v0 =	vld [tilespmem:s22+$0x400];
	_ =	sdelay $0x3  }
0xdd: {  	s21 =	sadd.s32 $0x40, s21  }
0xde: {  	[tilespmem:s21+$0xFFFFFFE0] =	vst v0  }
0xdf: {  	v0 =	vld [tilespmem:s22+$0x410];
	_ =	sdelay $0x4  }
0xe0: {  	[tilespmem:s21+$0xFFFFFFF0] =	vst v0  }
0xe1: {  	v0 =	vld [tilespmem:s22+$0x2400];
	_ =	sdelay $0x4  }
0xe2: {  	[tilespmem:s21+$0x0] =	vst v0  }
0xe3: {  	v0 =	vld [tilespmem:s22+$0x2410]  }
.Ltmp0:
0xe4: {  	(pc) =	sbr.rel @p0 .LBB2_2-.Ltmp0, $2  }
0xe5: {  	_ =	sdelay $0x2  }
0xe6: {  	s22 =	sshra.s32 s23, $0x2;
	s23 =	sadd.s32 $0x80, s23;
	[tilespmem:s21+$0x10] =	vst v0  }
0xe7: {  	v0 =	vld [tilespmem:s22+$0x400];
	_ =	sdelay $0x3  }
0xe8: {  	s21 =	sadd.s32 $0x40, s21  }
0xe9: {  	[tilespmem:s21+$0xFFFFFFE0] =	vst v0  }
0xea: {  	v0 =	vld [tilespmem:s22+$0x410];
	_ =	sdelay $0x4  }
0xeb: {  	[tilespmem:s21+$0xFFFFFFF0] =	vst v0  }
0xec: {  	v0 =	vld [tilespmem:s22+$0x2400];
	_ =	sdelay $0x4  }
0xed: {  	[tilespmem:s21+$0x0] =	vst v0  }
0xee: {  	v0 =	vld [tilespmem:s22+$0x2410];
	_ =	sdelay $0x4  }
0xef: {  	[tilespmem:s21+$0x10] =	vst v0;
	s21 =	simm.s32 $0x0  }
0xf0: {  	[hbm4b:s7+s21] =	stream.linear.scatter [tilespmem:s19], [sflag:$0x2], $0x4000, $0x38;
	[tilespmem:$0x8400] =	vst v63  }
0xf1: {  	_ =	swait.ge [sflag:s10], $0x4000  }
0xf2: {  	[sflag:s10] =	ssyncset.done $0x0  }
0xf3: {  	[sflag:s10] =	ssyncadd.s32 $0xFFFFC000  }
0xf4: {  	v62 =	vld [tilespmem:$0x100];
	_ =	sdelay $0x1  }
0xf5: {  	v1 =	vld [tilespmem:$0x300];
	_ =	sdelay $0x4  }
0xf6: {  	s23 =	simm.s32 $0x400  }
0xf7: {  	[tilespmem:s23], [sflag:$0x1] =	stream.indirect_vreg.gather [hbm4b:s3+s21], $0x20, v62, vm0, $0xb8;
	[tilespmem:$0x8400] =	vst v63  }
0xf8: {  	s23 =	simm.s32 $0x2400  }
0xf9: {  	[tilespmem:s23], [sflag:$0x1] =	stream.indirect_vreg.gather [hbm4b:s4+s21], $0x20, v1, vm0, $0xb8;
	[tilespmem:$0x8400] =	vst v63  }
0xfa: {  	v0 =	vld [tilespmem:$0x110];
	_ =	sdelay $0x1  }
0xfb: {  	v1 =	vld [tilespmem:$0x310];
	_ =	sdelay $0x4  }
0xfc: {  	s23 =	simm.s32 $0x600  }
0xfd: {  	[tilespmem:s23], [sflag:$0x1] =	stream.indirect_vreg.gather [hbm4b:s3+s21], $0x20, v0, vm0, $0xb8;
	[tilespmem:$0x8400] =	vst v63  }
0xfe: {  	s23 =	simm.s32 $0x2600  }
0xff: {  	[tilespmem:s23], [sflag:$0x1] =	stream.indirect_vreg.gather [hbm4b:s4+s21], $0x20, v1, vm0, $0xb8;
	[tilespmem:$0x8400] =	vst v63  }
0x100: {  	v0 =	vld [tilespmem:$0x120];
	_ =	sdelay $0x1  }
0x101: {  	v1 =	vld [tilespmem:$0x320];
	_ =	sdelay $0x4  }
0x102: {  	s23 =	simm.s32 $0x800  }
0x103: {  	[tilespmem:s23], [sflag:$0x1] =	stream.indirect_vreg.gather [hbm4b:s3+s21], $0x20, v0, vm0, $0xb8;
	[tilespmem:$0x8400] =	vst v63  }
0x104: {  	s23 =	simm.s32 $0x2800  }
0x105: {  	[tilespmem:s23], [sflag:$0x1] =	stream.indirect_vreg.gather [hbm4b:s4+s21], $0x20, v1, vm0, $0xb8;
	[tilespmem:$0x8400] =	vst v63  }
0x106: {  	v0 =	vld [tilespmem:$0x130];
	_ =	sdelay $0x1  }
0x107: {  	v1 =	vld [tilespmem:$0x330];
	_ =	sdelay $0x4  }
0x108: {  	s23 =	simm.s32 $0xA00  }
0x109: {  	[tilespmem:s23], [sflag:$0x1] =	stream.indirect_vreg.gather [hbm4b:s3+s21], $0x20, v0, vm0, $0xb8;
	[tilespmem:$0x8400] =	vst v63  }
0x10a: {  	s23 =	simm.s32 $0x2A00  }
0x10b: {  	[tilespmem:s23], [sflag:$0x1] =	stream.indirect_vreg.gather [hbm4b:s4+s21], $0x20, v1, vm0, $0xb8;
	[tilespmem:$0x8400] =	vst v63  }
0x10c: {  	v0 =	vld [tilespmem:$0x140];
	_ =	sdelay $0x1  }
0x10d: {  	v1 =	vld [tilespmem:$0x340];
	_ =	sdelay $0x4  }
0x10e: {  	s23 =	simm.s32 $0xC00  }
0x10f: {  	[tilespmem:s23], [sflag:$0x1] =	stream.indirect_vreg.gather [hbm4b:s3+s21], $0x20, v0, vm0, $0xb8;
	[tilespmem:$0x8400] =	vst v63  }
0x110: {  	s23 =	simm.s32 $0x2C00  }
0x111: {  	[tilespmem:s23], [sflag:$0x1] =	stream.indirect_vreg.gather [hbm4b:s4+s21], $0x20, v1, vm0, $0xb8;
	[tilespmem:$0x8400] =	vst v63  }
0x112: {  	v0 =	vld [tilespmem:$0x150];
	_ =	sdelay $0x1  }
0x113: {  	v1 =	vld [tilespmem:$0x350];
	_ =	sdelay $0x4  }
0x114: {  	s23 =	simm.s32 $0xE00  }
0x115: {  	[tilespmem:s23], [sflag:$0x1] =	stream.indirect_vreg.gather [hbm4b:s3+s21], $0x20, v0, vm0, $0xb8;
	[tilespmem:$0x8400] =	vst v63  }
0x116: {  	s23 =	simm.s32 $0x2E00  }
0x117: {  	[tilespmem:s23], [sflag:$0x1] =	stream.indirect_vreg.gather [hbm4b:s4+s21], $0x20, v1, vm0, $0xb8;
	[tilespmem:$0x8400] =	vst v63  }
0x118: {  	v0 =	vld [tilespmem:$0x160];
	_ =	sdelay $0x1  }
0x119: {  	v1 =	vld [tilespmem:$0x360];
	_ =	sdelay $0x5  }
0x11a: {  	[tilespmem:s24], [sflag:$0x1] =	stream.indirect_vreg.gather [hbm4b:s3+s21], $0x20, v0, vm0, $0xb8;
	[tilespmem:$0x8400] =	vst v63  }
0x11b: {  	_ = 	snop  }
0x11c: {  	[tilespmem:s25], [sflag:$0x1] =	stream.indirect_vreg.gather [hbm4b:s4+s21], $0x20, v1, vm0, $0xb8;
	[tilespmem:$0x8400] =	vst v63  }
0x11d: {  	v0 =	vld [tilespmem:$0x170];
	_ =	sdelay $0x1  }
0x11e: {  	v1 =	vld [tilespmem:$0x370];
	_ =	sdelay $0x5  }
0x11f: {  	[tilespmem:s26], [sflag:$0x1] =	stream.indirect_vreg.gather [hbm4b:s3+s21], $0x20, v0, vm0, $0xb8;
	[tilespmem:$0x8400] =	vst v63  }
0x120: {  	_ = 	snop  }
0x121: {  	[tilespmem:s28], [sflag:$0x1] =	stream.indirect_vreg.gather [hbm4b:s4+s21], $0x20, v1, vm0, $0xb8;
	[tilespmem:$0x8400] =	vst v63  }
0x122: {  	v0 =	vld [tilespmem:$0x180];
	_ =	sdelay $0x1  }
0x123: {  	v1 =	vld [tilespmem:$0x380];
	_ =	sdelay $0x5  }
0x124: {  	[tilespmem:s29], [sflag:$0x1] =	stream.indirect_vreg.gather [hbm4b:s3+s21], $0x20, v0, vm0, $0xb8;
	[tilespmem:$0x8400] =	vst v63  }
0x125: {  	_ = 	snop  }
0x126: {  	[tilespmem:s30], [sflag:$0x1] =	stream.indirect_vreg.gather [hbm4b:s4+s21], $0x20, v1, vm0, $0xb8;
	[tilespmem:$0x8400] =	vst v63  }
0x127: {  	v0 =	vld [tilespmem:$0x190];
	_ =	sdelay $0x1  }
0x128: {  	v1 =	vld [tilespmem:$0x390];
	_ =	sdelay $0x5  }
0x129: {  	[tilespmem:s31], [sflag:$0x1] =	stream.indirect_vreg.gather [hbm4b:s3+s21], $0x20, v0, vm0, $0xb8;
	[tilespmem:$0x8400] =	vst v63  }
0x12a: {  	_ = 	snop  }
0x12b: {  	[tilespmem:s0], [sflag:$0x1] =	stream.indirect_vreg.gather [hbm4b:s4+s21], $0x20, v1, vm0, $0xb8;
	[tilespmem:$0x8400] =	vst v63  }
0x12c: {  	v0 =	vld [tilespmem:$0x1A0];
	_ =	sdelay $0x1  }
0x12d: {  	v1 =	vld [tilespmem:$0x3A0];
	_ =	sdelay $0x5  }
0x12e: {  	[tilespmem:s1], [sflag:$0x1] =	stream.indirect_vreg.gather [hbm4b:s3+s21], $0x20, v0, vm0, $0xb8;
	[tilespmem:$0x8400] =	vst v63  }
0x12f: {  	_ = 	snop  }
0x130: {  	[tilespmem:s11], [sflag:$0x1] =	stream.indirect_vreg.gather [hbm4b:s4+s21], $0x20, v1, vm0, $0xb8;
	[tilespmem:$0x8400] =	vst v63  }
0x131: {  	v0 =	vld [tilespmem:$0x1B0];
	_ =	sdelay $0x1  }
0x132: {  	v1 =	vld [tilespmem:$0x3B0];
	_ =	sdelay $0x5  }
0x133: {  	[tilespmem:s12], [sflag:$0x1] =	stream.indirect_vreg.gather [hbm4b:s3+s21], $0x20, v0, vm0, $0xb8;
	[tilespmem:$0x8400] =	vst v63  }
0x134: {  	_ = 	snop  }
0x135: {  	[tilespmem:s13], [sflag:$0x1] =	stream.indirect_vreg.gather [hbm4b:s4+s21], $0x20, v1, vm0, $0xb8;
	[tilespmem:$0x8400] =	vst v63  }
0x136: {  	v0 =	vld [tilespmem:$0x1C0];
	_ =	sdelay $0x1  }
0x137: {  	v1 =	vld [tilespmem:$0x3C0];
	_ =	sdelay $0x5  }
0x138: {  	[tilespmem:s5], [sflag:$0x1] =	stream.indirect_vreg.gather [hbm4b:s3+s21], $0x20, v0, vm0, $0xb8;
	[tilespmem:$0x8400] =	vst v63  }
0x139: {  	_ = 	snop  }
0x13a: {  	[tilespmem:s14], [sflag:$0x1] =	stream.indirect_vreg.gather [hbm4b:s4+s21], $0x20, v1, vm0, $0xb8;
	[tilespmem:$0x8400] =	vst v63  }
0x13b: {  	v0 =	vld [tilespmem:$0x1D0];
	_ =	sdelay $0x1  }
0x13c: {  	v1 =	vld [tilespmem:$0x3D0];
	_ =	sdelay $0x5  }
0x13d: {  	[tilespmem:s6], [sflag:$0x1] =	stream.indirect_vreg.gather [hbm4b:s3+s21], $0x20, v0, vm0, $0xb8;
	[tilespmem:$0x8400] =	vst v63  }
0x13e: {  	_ = 	snop  }
0x13f: {  	[tilespmem:s15], [sflag:$0x1] =	stream.indirect_vreg.gather [hbm4b:s4+s21], $0x20, v1, vm0, $0xb8;
	[tilespmem:$0x8400] =	vst v63  }
0x140: {  	v0 =	vld [tilespmem:$0x1E0];
	_ =	sdelay $0x1  }
0x141: {  	v1 =	vld [tilespmem:$0x3E0];
	_ =	sdelay $0x5  }
0x142: {  	[tilespmem:s16], [sflag:$0x1] =	stream.indirect_vreg.gather [hbm4b:s3+s21], $0x20, v0, vm0, $0xb8;
	[tilespmem:$0x8400] =	vst v63  }
0x143: {  	_ = 	snop  }
0x144: {  	[tilespmem:s8], [sflag:$0x1] =	stream.indirect_vreg.gather [hbm4b:s4+s21], $0x20, v1, vm0, $0xb8;
	[tilespmem:$0x8400] =	vst v63  }
0x145: {  	v0 =	vld [tilespmem:$0x1F0];
	_ =	sdelay $0x1  }
0x146: {  	v1 =	vld [tilespmem:$0x3F0];
	_ =	sdelay $0x5  }
0x147: {  	[tilespmem:s9], [sflag:$0x1] =	stream.indirect_vreg.gather [hbm4b:s3+s21], $0x20, v0, vm0, $0xb8;
	[tilespmem:$0x8400] =	vst v63  }
0x148: {  	_ = 	snop  }
0x149: {  	[tilespmem:s17], [sflag:$0x1] =	stream.indirect_vreg.gather [hbm4b:s4+s21], $0x20, v1, vm0, $0xb8;
	[tilespmem:$0x8400] =	vst v63  }
0x14a: {  	_ =	swait.ge [sflag:s18], $0x200  }
0x14b: {  	[sflag:s18] =	ssyncset.done $0x0  }
0x14c: {  	[sflag:s18] =	ssyncadd.s32 $0xFFFFFE00  }
0x14d: {  	_ =	swait.ge [sflag:s18], $0x200  }
0x14e: {  	[sflag:s18] =	ssyncset.done $0x0  }
0x14f: {  	[sflag:s18] =	ssyncadd.s32 $0xFFFFFE00  }
0x150: {  	_ =	swait.ge [sflag:s18], $0x200  }
0x151: {  	[sflag:s18] =	ssyncset.done $0x0  }
0x152: {  	[sflag:s18] =	ssyncadd.s32 $0xFFFFFE00  }
0x153: {  	_ =	swait.ge [sflag:s18], $0x200  }
0x154: {  	[sflag:s18] =	ssyncset.done $0x0  }
0x155: {  	[sflag:s18] =	ssyncadd.s32 $0xFFFFFE00  }
0x156: {  	_ =	swait.ge [sflag:s18], $0x200  }
0x157: {  	[sflag:s18] =	ssyncset.done $0x0  }
0x158: {  	[sflag:s18] =	ssyncadd.s32 $0xFFFFFE00  }
0x159: {  	_ =	swait.ge [sflag:s18], $0x200  }
0x15a: {  	[sflag:s18] =	ssyncset.done $0x0  }
0x15b: {  	[sflag:s18] =	ssyncadd.s32 $0xFFFFFE00  }
0x15c: {  	_ =	swait.ge [sflag:s18], $0x200  }
0x15d: {  	[sflag:s18] =	ssyncset.done $0x0  }
0x15e: {  	[sflag:s18] =	ssyncadd.s32 $0xFFFFFE00  }
0x15f: {  	_ =	swait.ge [sflag:s18], $0x200  }
0x160: {  	[sflag:s18] =	ssyncset.done $0x0  }
0x161: {  	[sflag:s18] =	ssyncadd.s32 $0xFFFFFE00  }
0x162: {  	_ =	swait.ge [sflag:s18], $0x200  }
0x163: {  	[sflag:s18] =	ssyncset.done $0x0  }
0x164: {  	[sflag:s18] =	ssyncadd.s32 $0xFFFFFE00  }
0x165: {  	_ =	swait.ge [sflag:s18], $0x200  }
0x166: {  	[sflag:s18] =	ssyncset.done $0x0  }
0x167: {  	[sflag:s18] =	ssyncadd.s32 $0xFFFFFE00  }
0x168: {  	_ =	swait.ge [sflag:s18], $0x200  }
0x169: {  	[sflag:s18] =	ssyncset.done $0x0  }
0x16a: {  	[sflag:s18] =	ssyncadd.s32 $0xFFFFFE00  }
0x16b: {  	_ =	swait.ge [sflag:s18], $0x200  }
0x16c: {  	[sflag:s18] =	ssyncset.done $0x0  }
0x16d: {  	[sflag:s18] =	ssyncadd.s32 $0xFFFFFE00  }
0x16e: {  	_ =	swait.ge [sflag:s18], $0x200  }
0x16f: {  	[sflag:s18] =	ssyncset.done $0x0  }
0x170: {  	[sflag:s18] =	ssyncadd.s32 $0xFFFFFE00  }
0x171: {  	_ =	swait.ge [sflag:s18], $0x200  }
0x172: {  	[sflag:s18] =	ssyncset.done $0x0  }
0x173: {  	[sflag:s18] =	ssyncadd.s32 $0xFFFFFE00  }
0x174: {  	_ =	swait.ge [sflag:s18], $0x200  }
0x175: {  	[sflag:s18] =	ssyncset.done $0x0  }
0x176: {  	[sflag:s18] =	ssyncadd.s32 $0xFFFFFE00  }
0x177: {  	_ =	swait.ge [sflag:s18], $0x200  }
0x178: {  	[sflag:s18] =	ssyncset.done $0x0  }
0x179: {  	[sflag:s18] =	ssyncadd.s32 $0xFFFFFE00  }
0x17a: {  	_ =	swait.ge [sflag:s18], $0x200  }
0x17b: {  	[sflag:s18] =	ssyncset.done $0x0  }
0x17c: {  	[sflag:s18] =	ssyncadd.s32 $0xFFFFFE00  }
0x17d: {  	_ =	swait.ge [sflag:s18], $0x200  }
0x17e: {  	[sflag:s18] =	ssyncset.done $0x0  }
0x17f: {  	[sflag:s18] =	ssyncadd.s32 $0xFFFFFE00  }
0x180: {  	_ =	swait.ge [sflag:s18], $0x200  }
0x181: {  	[sflag:s18] =	ssyncset.done $0x0  }
0x182: {  	[sflag:s18] =	ssyncadd.s32 $0xFFFFFE00  }
0x183: {  	_ =	swait.ge [sflag:s18], $0x200  }
0x184: {  	[sflag:s18] =	ssyncset.done $0x0  }
0x185: {  	[sflag:s18] =	ssyncadd.s32 $0xFFFFFE00  }
0x186: {  	_ =	swait.ge [sflag:s18], $0x200  }
0x187: {  	[sflag:s18] =	ssyncset.done $0x0  }
0x188: {  	[sflag:s18] =	ssyncadd.s32 $0xFFFFFE00  }
0x189: {  	_ =	swait.ge [sflag:s18], $0x200  }
0x18a: {  	[sflag:s18] =	ssyncset.done $0x0  }
0x18b: {  	[sflag:s18] =	ssyncadd.s32 $0xFFFFFE00  }
0x18c: {  	_ =	swait.ge [sflag:s18], $0x200  }
0x18d: {  	[sflag:s18] =	ssyncset.done $0x0  }
0x18e: {  	[sflag:s18] =	ssyncadd.s32 $0xFFFFFE00  }
0x18f: {  	_ =	swait.ge [sflag:s18], $0x200  }
0x190: {  	[sflag:s18] =	ssyncset.done $0x0  }
0x191: {  	[sflag:s18] =	ssyncadd.s32 $0xFFFFFE00  }
0x192: {  	_ =	swait.ge [sflag:s18], $0x200  }
0x193: {  	[sflag:s18] =	ssyncset.done $0x0  }
0x194: {  	[sflag:s18] =	ssyncadd.s32 $0xFFFFFE00  }
0x195: {  	_ =	swait.ge [sflag:s18], $0x200  }
0x196: {  	[sflag:s18] =	ssyncset.done $0x0  }
0x197: {  	[sflag:s18] =	ssyncadd.s32 $0xFFFFFE00  }
0x198: {  	_ =	swait.ge [sflag:s18], $0x200  }
0x199: {  	[sflag:s18] =	ssyncset.done $0x0  }
0x19a: {  	[sflag:s18] =	ssyncadd.s32 $0xFFFFFE00  }
0x19b: {  	_ =	swait.ge [sflag:s18], $0x200  }
0x19c: {  	[sflag:s18] =	ssyncset.done $0x0  }
0x19d: {  	[sflag:s18] =	ssyncadd.s32 $0xFFFFFE00  }
0x19e: {  	_ =	swait.ge [sflag:s18], $0x200  }
0x19f: {  	[sflag:s18] =	ssyncset.done $0x0  }
0x1a0: {  	[sflag:s18] =	ssyncadd.s32 $0xFFFFFE00  }
0x1a1: {  	_ =	swait.ge [sflag:s18], $0x200  }
0x1a2: {  	[sflag:s18] =	ssyncset.done $0x0  }
0x1a3: {  	[sflag:s18] =	ssyncadd.s32 $0xFFFFFE00  }
0x1a4: {  	_ =	swait.ge [sflag:s18], $0x200  }
0x1a5: {  	[sflag:s18] =	ssyncset.done $0x0  }
0x1a6: {  	[sflag:s18] =	ssyncadd.s32 $0xFFFFFE00  }
0x1a7: {  	_ =	swait.ge [sflag:s18], $0x200  }
0x1a8: {  	[sflag:s18] =	ssyncset.done $0x0  }
0x1a9: {  	s23 =	simm.s32 $0x0;
	[sflag:s18] =	ssyncadd.s32 $0xFFFFFE00  }
0x1aa: {  	v63 =	vld [tilespmem:s23+$0x400];
	_ =	sdelay $0x3  }
0x1ab: {  	s21 =	simm.s32 $0x4420  }
0x1ac: {  	[tilespmem:s21+$0xFFFFFFE0] =	vst v63  }
0x1ad: {  	v0 =	vld [tilespmem:s23+$0x410];
	_ =	sdelay $0x4  }
0x1ae: {  	[tilespmem:s21+$0xFFFFFFF0] =	vst v0  }
0x1af: {  	v0 =	vld [tilespmem:s23+$0x2400];
	_ =	sdelay $0x4  }
0x1b0: {  	[tilespmem:s21+$0x0] =	vst v0  }
0x1b1: {  	v0 =	vld [tilespmem:s23+$0x2410];
	_ =	sdelay $0x4  }
0x1b2: {  	s22 =	simm.s32 $0x20;
	s23 =	simm.s32 $0x100;
	[tilespmem:s21+$0x10] =	vst v0  }
.LBB2_4:
0x1b3: {  	p0 =	sne.s32 s23, $0x7F80;
	v0 =	vld [tilespmem:s22+$0x400];
	_ =	sdelay $0x3  }
0x1b4: {  	s21 =	sadd.s32 $0x40, s21  }
0x1b5: {  	[tilespmem:s21+$0xFFFFFFE0] =	vst v0  }
0x1b6: {  	v0 =	vld [tilespmem:s22+$0x410];
	_ =	sdelay $0x4  }
0x1b7: {  	[tilespmem:s21+$0xFFFFFFF0] =	vst v0  }
0x1b8: {  	v0 =	vld [tilespmem:s22+$0x2400];
	_ =	sdelay $0x4  }
0x1b9: {  	[tilespmem:s21+$0x0] =	vst v0  }
0x1ba: {  	v0 =	vld [tilespmem:s22+$0x2410]  }
.Ltmp1:
0x1bb: {  	(pc) =	sbr.rel @p0 .LBB2_4-.Ltmp1, $2  }
0x1bc: {  	_ =	sdelay $0x2  }
0x1bd: {  	s22 =	sshra.s32 s23, $0x2;
	s23 =	sadd.s32 $0x80, s23;
	[tilespmem:s21+$0x10] =	vst v0  }
0x1be: {  	v0 =	vld [tilespmem:s22+$0x400];
	_ =	sdelay $0x3  }
0x1bf: {  	s21 =	sadd.s32 $0x40, s21  }
0x1c0: {  	[tilespmem:s21+$0xFFFFFFE0] =	vst v0  }
0x1c1: {  	v0 =	vld [tilespmem:s22+$0x410];
	_ =	sdelay $0x4  }
0x1c2: {  	[tilespmem:s21+$0xFFFFFFF0] =	vst v0  }
0x1c3: {  	v0 =	vld [tilespmem:s22+$0x2400];
	_ =	sdelay $0x4  }
0x1c4: {  	[tilespmem:s21+$0x0] =	vst v0  }
0x1c5: {  	v0 =	vld [tilespmem:s22+$0x2410];
	_ =	sdelay $0x4  }
0x1c6: {  	s22 =	rddreg [dreg:$0x5];
	[tilespmem:s21+$0x10] =	vst v0  }
0x1c7: {  	[hbm4b:s22+s2] =	stream.linear.scatter [tilespmem:s19], [sflag:$0x2], $0x4000, $0x38;
	[tilespmem:$0x8400] =	vst v63  }
0x1c8: {  	_ =	swait.ge [sflag:s10], $0x4000  }
0x1c9: {  	s20 =	sadd.s32 $0x1, s20;
	s23 =	rddreg [dreg:$0x6]  }
0x1ca: {  	p0 =	sne.s32 s20, s23  }
.Ltmp2:
0x1cb: {  	_ = 	snop;
	(pc) =	sbr.rel @p0 .LBB2_1-.Ltmp2, $3  }
0x1cc: {  	_ =	sdelay $0x1  }
0x1cd: {  	[sflag:s10] =	ssyncset.done $0x0  }
0x1ce: {  	[sflag:s10] =	ssyncadd.s32 $0xFFFFC000  }
0x1cf: {  	_ =	sfence.sel $0x180000  }
0x1d0: {  	[bflag:$0x0] =	sbarrier.arrive $0xFFFF  }
0x1d1: {  	_ =	strace $0x90000047  }
0x1d2: {  	s0 =	stileid.u32;
	[bflag:$0x2] =	sbarrier.arrive $0xFFFF  }
0x1d3: {  	p0 =	sne.s32 s0, $0x0;
	s0 =	rddreg [dreg:$0x2]  }
0x1d4: {  	s0 =	sadd.s32 @!p0 $0x100000, s0  }
0x1d5: {  	[sflag:s0] =	ssyncadd.tile.s32 @!p0 $0x1;
	_ =	shalt  }
.Lfunc_end2:
_tile_overlayer_lowered:
.L_overlay_start_2:
0x1d6: {  	(tag) =	ssettag $0x2  }
0x1d7: {  	s0 =	rddreg [dreg:$0x0];
	s2 =	stileid.u32  }
0x1d8: {  	s1 =	rddreg [dreg:$0x1];
	p0 =	sne.s32 s2, $0x0  }
0x1d9: {  	s3 =	rddreg [dreg:$0x2];
	[bflag:$0x3] =	sbarrier.arrive $0xFFFF;
	s2 =	simm.s32 @!p0 $0x1C02  }
0x1da: {  	[timem:s3], [sflag:s2] =	dma.local @!p0 [hbm:s0], s1  }
0x1db: {  	s0 =	simm.s32 @!p0 $0x2  }
0x1dc: {  	_ =	swait.ge @!p0 [sflag:s0], s1  }
0x1dd: {  	s1 =	ssub.s32 @!p0 $0x0, s1;
	[sflag:s0] =	ssyncset.done @!p0 $0x0  }
0x1de: {  	[sflag:s0] =	ssyncadd.s32 @!p0 s1  }
0x1df: {  	[bflag:$0x3] =	sbarrier.arrive $0xFFFF  }
0x1e0: {  	_ =	shalt  }

</sc_bundles>
